<compile_context>
chip_gen: v7x
topology: tpu7x:2x2x1
jax: 0.10.2.dev20260603
libtpu: 0.0.44.dev20260713+nightly
codegen_flags: <defaults>
</compile_context>

<pallas_src>
import functools

import jax
import jax.numpy as jnp
from jax import lax
from jax.experimental import pallas as pl
from jax.experimental.pallas import tpu as pltpu
from jax.experimental.pallas import tpu_sc as plsc

NW = 32
CHUNK = 128


def _sc_gather_fn(B, ED):
    R = B // NW
    NC = R // CHUNK
    f32 = jnp.float32
    mesh = plsc.VectorSubcoreMesh(core_axis_name="c", subcore_axis_name="s")

    @functools.partial(
        pl.kernel,
        out_type=(
            jax.ShapeDtypeStruct((B, ED), f32),
            jax.ShapeDtypeStruct((B, ED), f32),
            jax.ShapeDtypeStruct((B // CHUNK, CHUNK), f32),
        ),
        mesh=mesh,
        scratch_types=[
            pltpu.VMEM((NC, CHUNK), jnp.int32),
            pltpu.VMEM((NC, CHUNK), jnp.int32),
            pltpu.VMEM((R, 128), f32),
            pltpu.VMEM((NC, CHUNK), f32),
            pltpu.VMEM((NC, CHUNK), f32),
            pltpu.VMEM((NC, CHUNK), f32),
            pltpu.VMEM((16,), f32),
            pltpu.SemaphoreType.DMA,
        ],
        compiler_params=pltpu.CompilerParams(use_tc_tiling_on_sc=False),
    )
    def sc(uidx, iidx, uemb, iemb, wubp, wibp, gb,
           out_u, out_i, out_w,
           vu, vi, rows, bu, bi, wsum, gbv, sem):
        wid = lax.axis_index("s") * 2 + lax.axis_index("c")
        base = wid * R
        cbase = wid * NC

        pltpu.sync_copy(uidx.at[pl.ds(cbase, NC)], vu)
        pltpu.sync_copy(iidx.at[pl.ds(cbase, NC)], vi)
        pltpu.sync_copy(gb, gbv)

        def gather_rows(tbl, idx_ref):
            cps = [pltpu.async_copy(tbl.at[idx_ref.at[j]],
                                    rows.at[pl.ds(j * CHUNK, CHUNK)], sem)
                   for j in range(NC)]
            for c in cps:
                c.wait()

        gather_rows(uemb, vu)
        pltpu.sync_copy(rows, out_u.at[pl.ds(base, R)])
        gather_rows(iemb, vi)
        pltpu.sync_copy(rows, out_i.at[pl.ds(base, R)])

        cps = [pltpu.async_copy(wubp.at[vu.at[j]], bu.at[j], sem)
               for j in range(NC)]
        cps += [pltpu.async_copy(wibp.at[vi.at[j]], bi.at[j], sem)
                for j in range(NC)]
        for c in cps:
            c.wait()

        gvec = gbv[...]
        for j in range(NC):
            for i in range(CHUNK // 16):
                s = pl.ds(i * 16, 16)
                wsum[j, s] = bu[j, s] + bi[j, s] + gvec
        pltpu.sync_copy(wsum, out_w.at[pl.ds(cbase, NC)])

    return sc


def _dotT(x, w):
    return lax.dot_general(x, w, (((1,), (1,)), ((), ())),
                           preferred_element_type=jnp.float32)


def _dotTb(x, w, out_dtype=jnp.float32):
    return lax.dot_general(x.astype(jnp.bfloat16), w,
                           (((1,), (1,)), ((), ())),
                           preferred_element_type=out_dtype)


def kernel(user_idx, item_idx, gender_idx, age_idx, occupation_idx,
           item_genre_features, global_bias, wide_user_bias, wide_item_bias,
           wide_gender_bias, wide_age_bias, wide_occupation_bias, wide_genre_W,
           user_emb, item_emb, gender_emb, age_emb, occupation_emb,
           genre_proj_W, genre_proj_b, W1, b1, W2, b2, W3, b3):
    B = user_idx.shape[0]
    ED = user_emb.shape[1]
    ED4 = gender_emb.shape[1]
    GED = genre_proj_W.shape[0]
    NG = item_genre_features.shape[1]
    NGen, NAge, NOcc = gender_emb.shape[0], age_emb.shape[0], occupation_emb.shape[0]
    H1, H2 = W1.shape[0], W2.shape[0]
    i32, f32 = jnp.int32, jnp.float32

    ui = user_idx.astype(i32).reshape(B // CHUNK, CHUNK)
    ii = item_idx.astype(i32).reshape(B // CHUNK, CHUNK)
    gb = jnp.broadcast_to((global_bias + b3).astype(f32), (16,))

    xu, xi, widev = _sc_gather_fn(B, ED)(
        ui, ii, user_emb, item_emb,
        wide_user_bias.reshape(-1), wide_item_bias.reshape(-1), gb)

    BM = 2048
    NB = B // BM
    bf16 = jnp.bfloat16

    gext = jnp.concatenate([gender_emb, wide_gender_bias], axis=1)
    aext = jnp.concatenate([age_emb, wide_age_bias], axis=1)
    oext = jnp.concatenate([occupation_emb, wide_occupation_bias], axis=1)
    gidx = gender_idx.astype(jnp.int8).reshape(B, 1)
    aidx = age_idx.astype(jnp.int8).reshape(B, 1)
    oidx = occupation_idx.astype(jnp.int8).reshape(B, 1)

    def tc_body(xu_r, xi_r, gi_r, ai_r, oi_r, genre_r, wide_r,
                gext_r, aext_r, oext_r, w1b_r, b1_r,
                w2b_r, b2_r, w3_r, gpw_r, gpb_r, wgw_r, out_r):
        g = genre_r[...].astype(f32)

        def emb_lookup(idx_r, ext_r, ncls):
            oh = (idx_r[...].astype(i32)
                  == lax.broadcasted_iota(i32, (BM, ncls), 1))
            x = jnp.dot(oh.astype(f32), ext_r[...],
                        preferred_element_type=f32)
            return x[:, :ED4], x[:, ED4:]

        xg, wbg = emb_lookup(gi_r, gext_r, NGen)
        xa, wba = emb_lookup(ai_r, aext_r, NAge)
        xo, wbo = emb_lookup(oi_r, oext_r, NOcc)

        x_gen = _dotT(g, gpw_r[...]) + gpb_r[...]
        xs = jnp.concatenate([xg, xa, xo, x_gen], axis=1)
        h1 = (_dotTb(xu_r[...], w1b_r[:, :ED]) +
              _dotTb(xi_r[...], w1b_r[:, ED:2 * ED]) +
              _dotTb(xs, w1b_r[:, 2 * ED:]) + b1_r[...])
        h1 = jnp.maximum(h1, 0.0)
        h2 = jnp.maximum(_dotTb(h1, w2b_r[...]) + b2_r[...], 0.0)
        deep = _dotT(h2, w3_r[...])
        wide_g = _dotT(g, wgw_r[...])
        out_r[...] = wide_r[...].astype(f32) + wide_g + wbg + wba + wbo + deep

    def rows(minor):
        return pl.BlockSpec((BM, minor), lambda i: (i, 0))

    def whole(a):
        return pl.BlockSpec(a.shape, lambda i: (0,) * a.ndim)

    b1r, b2r = b1.reshape(1, H1), b2.reshape(1, H2)
    gpbr = genre_proj_b.reshape(1, GED)
    wide2 = widev.astype(bf16).reshape(B, 1)
    W1b, W2b = W1.astype(bf16), W2.astype(bf16)
    genre_b = item_genre_features.astype(bf16)
    operands = (xu, xi, gidx, aidx, oidx, genre_b, wide2,
                gext, aext, oext, W1b, b1r,
                W2b, b2r, W3, genre_proj_W, gpbr, wide_genre_W)
    in_specs = [rows(ED), rows(ED), rows(1), rows(1), rows(1), rows(NG),
                rows(1)]
    in_specs += [whole(a) for a in operands[7:]]

    out = pl.pallas_call(
        tc_body,
        grid=(NB,),
        in_specs=in_specs,
        out_specs=pl.BlockSpec((BM, 1), lambda i: (i, 0)),
        out_shape=jax.ShapeDtypeStruct((B, 1), f32),
    )(*operands)
    return out.reshape(B)

# --- scband reference (transcript-rebuilt; emitter-appended) ---
"""Pipeline reference for scband-wide-and-deep-net-54812372632177 (READ-ONLY COPY).

The authoritative reference and input builder live on the scoring server;
editing this copy changes nothing except your own understanding.
"""

import jax, jax.numpy as jnp
import numpy as np

B = 16384
N_USERS = 100000
N_ITEMS = 100000
N_GENDERS = 2
N_AGES = 7
N_OCC = 21
N_GENRES = 18
ED = 128
ED4 = max(4, ED // 4)
GED = 64
H1, H2 = 1024, 512
DEEP_IN = ED + ED + ED4 + ED4 + ED4 + GED


def setup_inputs(seed: int = 0) -> dict:
    key = jax.random.key(seed)
    ks = jax.random.split(key, 32)
    inp = {}
    inp['user_idx'] = jax.random.randint(ks[0], (B,), 0, N_USERS)
    inp['item_idx'] = jax.random.randint(ks[1], (B,), 0, N_ITEMS)
    inp['gender_idx'] = jax.random.randint(ks[2], (B,), 0, N_GENDERS)
    inp['age_idx'] = jax.random.randint(ks[3], (B,), 0, N_AGES)
    inp['occupation_idx'] = jax.random.randint(ks[4], (B,), 0, N_OCC)
    inp['item_genre_features'] = jax.random.uniform(ks[5], (B, N_GENRES), dtype=jnp.float32)
    s = 0.02
    inp['global_bias'] = jnp.zeros((1,), jnp.float32)
    inp['wide_user_bias'] = s * jax.random.normal(ks[6], (N_USERS, 1), jnp.float32)
    inp['wide_item_bias'] = s * jax.random.normal(ks[7], (N_ITEMS, 1), jnp.float32)
    inp['wide_gender_bias'] = s * jax.random.normal(ks[8], (N_GENDERS, 1), jnp.float32)
    inp['wide_age_bias'] = s * jax.random.normal(ks[9], (N_AGES, 1), jnp.float32)
    inp['wide_occupation_bias'] = s * jax.random.normal(ks[10], (N_OCC, 1), jnp.float32)
    inp['wide_genre_W'] = s * jax.random.normal(ks[11], (1, N_GENRES), jnp.float32)
    inp['user_emb'] = s * jax.random.normal(ks[12], (N_USERS, ED), jnp.float32)
    inp['item_emb'] = s * jax.random.normal(ks[13], (N_ITEMS, ED), jnp.float32)
    inp['gender_emb'] = s * jax.random.normal(ks[14], (N_GENDERS, ED4), jnp.float32)
    inp['age_emb'] = s * jax.random.normal(ks[15], (N_AGES, ED4), jnp.float32)
    inp['occupation_emb'] = s * jax.random.normal(ks[16], (N_OCC, ED4), jnp.float32)
    inp['genre_proj_W'] = s * jax.random.normal(ks[17], (GED, N_GENRES), jnp.float32)
    inp['genre_proj_b'] = jnp.zeros((GED,), jnp.float32)
    inp['W1'] = s * jax.random.normal(ks[18], (H1, DEEP_IN), jnp.float32)
    inp['b1'] = jnp.zeros((H1,), jnp.float32)
    inp['W2'] = s * jax.random.normal(ks[19], (H2, H1), jnp.float32)
    inp['b2'] = jnp.zeros((H2,), jnp.float32)
    inp['W3'] = s * jax.random.normal(ks[20], (1, H2), jnp.float32)
    inp['b3'] = jnp.zeros((1,), jnp.float32)
    return inp


def reference(user_idx, item_idx, gender_idx, age_idx, occupation_idx, item_genre_features,
              global_bias, wide_user_bias, wide_item_bias, wide_gender_bias, wide_age_bias,
              wide_occupation_bias, wide_genre_W, user_emb, item_emb, gender_emb, age_emb,
              occupation_emb, genre_proj_W, genre_proj_b, W1, b1, W2, b2, W3, b3):
    wide_logit = (global_bias
                  + jnp.take(wide_user_bias, user_idx, axis=0)[:, 0]
                  + jnp.take(wide_item_bias, item_idx, axis=0)[:, 0]
                  + jnp.take(wide_gender_bias, gender_idx, axis=0)[:, 0]
                  + jnp.take(wide_age_bias, age_idx, axis=0)[:, 0]
                  + jnp.take(wide_occupation_bias, occupation_idx, axis=0)[:, 0]
                  + (item_genre_features @ wide_genre_W.T)[:, 0])
    deep_input = jnp.concatenate([
        jnp.take(user_emb, user_idx, axis=0),
        jnp.take(item_emb, item_idx, axis=0),
        jnp.take(gender_emb, gender_idx, axis=0),
        jnp.take(age_emb, age_idx, axis=0),
        jnp.take(occupation_emb, occupation_idx, axis=0),
        item_genre_features @ genre_proj_W.T + genre_proj_b,
    ], axis=1)
    h = jax.nn.relu(deep_input @ W1.T + b1)
    h = jax.nn.relu(h @ W2.T + b2)
    deep_logit = (h @ W3.T + b3)[:, 0]
    return wide_logit + deep_logit

if __name__ == "__main__":
    import jax
    _d = setup_inputs()
    print(jax.jit(kernel)(*tuple(_d.values())))

</pallas_src>

<mosaic_0001>
#map = affine_map<(d0, d1) -> (0, 0)>
#map1 = affine_map<(d0, d1) -> (0)>
module attributes {stable_mosaic.version = 14 : i64} {
  func.func @sc(%arg0: i32, %arg1: i32, %arg2: memref<128x128xi32, #tpu.memory_space<hbm>>, %arg3: memref<128x128xi32, #tpu.memory_space<hbm>>, %arg4: memref<100000x128xf32, #tpu.memory_space<hbm>>, %arg5: memref<100000x128xf32, #tpu.memory_space<hbm>>, %arg6: memref<100000xf32, #tpu.memory_space<hbm>>, %arg7: memref<100000xf32, #tpu.memory_space<hbm>>, %arg8: memref<16xf32, #tpu.memory_space<hbm>>, %arg9: memref<16384x128xf32, #tpu.memory_space<hbm>>, %arg10: memref<16384x128xf32, #tpu.memory_space<hbm>>, %arg11: memref<128x128xf32, #tpu.memory_space<hbm>>, %arg12: memref<4x128xi32, #tpu.memory_space<vmem>>, %arg13: memref<4x128xi32, #tpu.memory_space<vmem>>, %arg14: memref<512x128xf32, #tpu.memory_space<vmem>>, %arg15: memref<4x128xf32, #tpu.memory_space<vmem>>, %arg16: memref<4x128xf32, #tpu.memory_space<vmem>>, %arg17: memref<4x128xf32, #tpu.memory_space<vmem>>, %arg18: memref<16xf32, #tpu.memory_space<vmem>>, %arg19: memref<!tpu.dma_semaphore, #tpu.memory_space<semaphore_mem>>) attributes {dimension_semantics = [#tpu.dimension_semantics<core_parallel>, #tpu.dimension_semantics<subcore_parallel>], iteration_bounds = array<i64: 2, 16>, scalar_prefetch = 0 : i64, scratch_operands = 8 : i64, tpu.core_type = #tpu.core_type<sc_vector_subcore>, window_params = [{transform_indices = #map}, {transform_indices = #map}, {transform_indices = #map}, {transform_indices = #map}, {transform_indices = #map1}, {transform_indices = #map1}, {transform_indices = #map1}, {transform_indices = #map}, {transform_indices = #map}, {transform_indices = #map}]} {
    %mul3A = arith.constant 2 : i32
    %mul3A_0 = arith.muli %arg1, %mul3A : i32
    %add3A = arith.addi %mul3A_0, %arg0 : i32
    %mul3A_1 = arith.constant 512 : i32
    %mul3A_2 = arith.muli %add3A, %mul3A_1 : i32
    %mul3A_3 = arith.constant 4 : i32
    %mul3A_4 = arith.muli %add3A, %mul3A_3 : i32
    "tpu.region"() ({
      %run_scoped3A = tpu.sem_alloc : memref<!tpu.dma_semaphore, #tpu.memory_space<semaphore_mem>>
      %dma_start3A_900 = arith.constant 0 : i32
      %dma_start3A_901 = tpu.memref_slice %arg2[%mul3A_4, %dma_start3A_900] : memref<128x128xi32, #tpu.memory_space<hbm>> -> memref<4x128xi32, #tpu.memory_space<hbm>>
      %dma_start3A_902 = arith.constant 0 : i32
      %dma_start3A_903 = tpu.memref_slice %arg2[%mul3A_4, %dma_start3A_902] : memref<128x128xi32, #tpu.memory_space<hbm>> -> memref<4x128xi32, #tpu.memory_space<hbm>>
      tpu.enqueue_dma source(%dma_start3A_903 : memref<4x128xi32, #tpu.memory_space<hbm>>) target(%arg12 : memref<4x128xi32, #tpu.memory_space<vmem>>) target_semaphore(%run_scoped3A : memref<!tpu.dma_semaphore, #tpu.memory_space<semaphore_mem>>)
      %dma_wait3A_904 = arith.constant 0 : i32
      %dma_wait3A_905 = tpu.memref_slice %arg2[%mul3A_4, %dma_wait3A_904] : memref<128x128xi32, #tpu.memory_space<hbm>> -> memref<4x128xi32, #tpu.memory_space<hbm>>
      %dma_wait3A_906 = arith.constant 0 : i32
      %dma_wait3A_907 = tpu.memref_slice %arg2[%mul3A_4, %dma_wait3A_906] : memref<128x128xi32, #tpu.memory_space<hbm>> -> memref<4x128xi32, #tpu.memory_space<hbm>>
      tpu.wait_dma2 semaphore(%run_scoped3A : memref<!tpu.dma_semaphore, #tpu.memory_space<semaphore_mem>>) src(%dma_wait3A_907 : memref<4x128xi32, #tpu.memory_space<hbm>>) dst(%arg12 : memref<4x128xi32, #tpu.memory_space<vmem>>)
      tpu.yield
    }) : () -> ()
    "tpu.region"() ({
      %run_scoped3A = tpu.sem_alloc : memref<!tpu.dma_semaphore, #tpu.memory_space<semaphore_mem>>
      %dma_start3A_900 = arith.constant 0 : i32
      %dma_start3A_901 = tpu.memref_slice %arg3[%mul3A_4, %dma_start3A_900] : memref<128x128xi32, #tpu.memory_space<hbm>> -> memref<4x128xi32, #tpu.memory_space<hbm>>
      %dma_start3A_902 = arith.constant 0 : i32
      %dma_start3A_903 = tpu.memref_slice %arg3[%mul3A_4, %dma_start3A_902] : memref<128x128xi32, #tpu.memory_space<hbm>> -> memref<4x128xi32, #tpu.memory_space<hbm>>
      tpu.enqueue_dma source(%dma_start3A_903 : memref<4x128xi32, #tpu.memory_space<hbm>>) target(%arg13 : memref<4x128xi32, #tpu.memory_space<vmem>>) target_semaphore(%run_scoped3A : memref<!tpu.dma_semaphore, #tpu.memory_space<semaphore_mem>>)
      %dma_wait3A_904 = arith.constant 0 : i32
      %dma_wait3A_905 = tpu.memref_slice %arg3[%mul3A_4, %dma_wait3A_904] : memref<128x128xi32, #tpu.memory_space<hbm>> -> memref<4x128xi32, #tpu.memory_space<hbm>>
      %dma_wait3A_906 = arith.constant 0 : i32
      %dma_wait3A_907 = tpu.memref_slice %arg3[%mul3A_4, %dma_wait3A_906] : memref<128x128xi32, #tpu.memory_space<hbm>> -> memref<4x128xi32, #tpu.memory_space<hbm>>
      tpu.wait_dma2 semaphore(%run_scoped3A : memref<!tpu.dma_semaphore, #tpu.memory_space<semaphore_mem>>) src(%dma_wait3A_907 : memref<4x128xi32, #tpu.memory_space<hbm>>) dst(%arg13 : memref<4x128xi32, #tpu.memory_space<vmem>>)
      tpu.yield
    }) : () -> ()
    "tpu.region"() ({
      %run_scoped3A = tpu.sem_alloc : memref<!tpu.dma_semaphore, #tpu.memory_space<semaphore_mem>>
      tpu.enqueue_dma source(%arg8 : memref<16xf32, #tpu.memory_space<hbm>>) target(%arg18 : memref<16xf32, #tpu.memory_space<vmem>>) target_semaphore(%run_scoped3A : memref<!tpu.dma_semaphore, #tpu.memory_space<semaphore_mem>>)
      tpu.wait_dma2 semaphore(%run_scoped3A : memref<!tpu.dma_semaphore, #tpu.memory_space<semaphore_mem>>) src(%arg8 : memref<16xf32, #tpu.memory_space<hbm>>) dst(%arg18 : memref<16xf32, #tpu.memory_space<vmem>>)
      tpu.yield
    }) : () -> ()
    %dma_start3A = arith.constant 0 : i32
    %dma_start3A_5 = arith.constant 0 : i32
    %dma_start3A_6 = arith.constant 0 : i32
    %dma_start3A_7 = tpu.memref_slice %arg14[%dma_start3A_5, %dma_start3A_6] : memref<512x128xf32, #tpu.memory_space<vmem>> -> memref<128x128xf32, #tpu.memory_space<vmem>>
    %dma_start3A_8 = arith.constant 0 : i32
    %dma_start3A_9 = tpu.memref_slice %arg12[%dma_start3A, %dma_start3A_8] : memref<4x128xi32, #tpu.memory_space<vmem>> -> memref<1x128xi32, #tpu.memory_space<vmem>>
    %dma_start3A_10 = tpu.memref_squeeze %dma_start3A_9 : memref<1x128xi32, #tpu.memory_space<vmem>> -> memref<128xi32, #tpu.memory_space<vmem>>
    %dma_start3A_11 = arith.constant 0 : i32
    %dma_start3A_12 = arith.constant 0 : i32
    %dma_start3A_13 = tpu.memref_slice %arg4[%dma_start3A_11, %dma_start3A_12] : memref<100000x128xf32, #tpu.memory_space<hbm>> -> memref<100000x128xf32, #tpu.memory_space<hbm>>
    tpu.enqueue_indirect_dma source(%dma_start3A_13 : memref<100000x128xf32, #tpu.memory_space<hbm>>) target(%dma_start3A_7 : memref<128x128xf32, #tpu.memory_space<vmem>>) offsets(%dma_start3A_10 : memref<128xi32, #tpu.memory_space<vmem>>) semaphore(%arg19 : memref<!tpu.dma_semaphore, #tpu.memory_space<semaphore_mem>>)
    %dma_start3A_14 = arith.constant 1 : i32
    %dma_start3A_15 = arith.constant 128 : i32
    %dma_start3A_16 = arith.constant 0 : i32
    %dma_start3A_17 = tpu.memref_slice %arg14[%dma_start3A_15, %dma_start3A_16] : memref<512x128xf32, #tpu.memory_space<vmem>> -> memref<128x128xf32, #tpu.memory_space<vmem>>
    %dma_start3A_18 = arith.constant 0 : i32
    %dma_start3A_19 = tpu.memref_slice %arg12[%dma_start3A_14, %dma_start3A_18] : memref<4x128xi32, #tpu.memory_space<vmem>> -> memref<1x128xi32, #tpu.memory_space<vmem>>
    %dma_start3A_20 = tpu.memref_squeeze %dma_start3A_19 : memref<1x128xi32, #tpu.memory_space<vmem>> -> memref<128xi32, #tpu.memory_space<vmem>>
    %dma_start3A_21 = arith.constant 0 : i32
    %dma_start3A_22 = arith.constant 0 : i32
    %dma_start3A_23 = tpu.memref_slice %arg4[%dma_start3A_21, %dma_start3A_22] : memref<100000x128xf32, #tpu.memory_space<hbm>> -> memref<100000x128xf32, #tpu.memory_space<hbm>>
    tpu.enqueue_indirect_dma source(%dma_start3A_23 : memref<100000x128xf32, #tpu.memory_space<hbm>>) target(%dma_start3A_17 : memref<128x128xf32, #tpu.memory_space<vmem>>) offsets(%dma_start3A_20 : memref<128xi32, #tpu.memory_space<vmem>>) semaphore(%arg19 : memref<!tpu.dma_semaphore, #tpu.memory_space<semaphore_mem>>)
    %dma_start3A_24 = arith.constant 2 : i32
    %dma_start3A_25 = arith.constant 256 : i32
    %dma_start3A_26 = arith.constant 0 : i32
    %dma_start3A_27 = tpu.memref_slice %arg14[%dma_start3A_25, %dma_start3A_26] : memref<512x128xf32, #tpu.memory_space<vmem>> -> memref<128x128xf32, #tpu.memory_space<vmem>>
    %dma_start3A_28 = arith.constant 0 : i32
    %dma_start3A_29 = tpu.memref_slice %arg12[%dma_start3A_24, %dma_start3A_28] : memref<4x128xi32, #tpu.memory_space<vmem>> -> memref<1x128xi32, #tpu.memory_space<vmem>>
    %dma_start3A_30 = tpu.memref_squeeze %dma_start3A_29 : memref<1x128xi32, #tpu.memory_space<vmem>> -> memref<128xi32, #tpu.memory_space<vmem>>
    %dma_start3A_31 = arith.constant 0 : i32
    %dma_start3A_32 = arith.constant 0 : i32
    %dma_start3A_33 = tpu.memref_slice %arg4[%dma_start3A_31, %dma_start3A_32] : memref<100000x128xf32, #tpu.memory_space<hbm>> -> memref<100000x128xf32, #tpu.memory_space<hbm>>
    tpu.enqueue_indirect_dma source(%dma_start3A_33 : memref<100000x128xf32, #tpu.memory_space<hbm>>) target(%dma_start3A_27 : memref<128x128xf32, #tpu.memory_space<vmem>>) offsets(%dma_start3A_30 : memref<128xi32, #tpu.memory_space<vmem>>) semaphore(%arg19 : memref<!tpu.dma_semaphore, #tpu.memory_space<semaphore_mem>>)
    %dma_start3A_34 = arith.constant 3 : i32
    %dma_start3A_35 = arith.constant 384 : i32
    %dma_start3A_36 = arith.constant 0 : i32
    %dma_start3A_37 = tpu.memref_slice %arg14[%dma_start3A_35, %dma_start3A_36] : memref<512x128xf32, #tpu.memory_space<vmem>> -> memref<128x128xf32, #tpu.memory_space<vmem>>
    %dma_start3A_38 = arith.constant 0 : i32
    %dma_start3A_39 = tpu.memref_slice %arg12[%dma_start3A_34, %dma_start3A_38] : memref<4x128xi32, #tpu.memory_space<vmem>> -> memref<1x128xi32, #tpu.memory_space<vmem>>
    %dma_start3A_40 = tpu.memref_squeeze %dma_start3A_39 : memref<1x128xi32, #tpu.memory_space<vmem>> -> memref<128xi32, #tpu.memory_space<vmem>>
    %dma_start3A_41 = arith.constant 0 : i32
    %dma_start3A_42 = arith.constant 0 : i32
    %dma_start3A_43 = tpu.memref_slice %arg4[%dma_start3A_41, %dma_start3A_42] : memref<100000x128xf32, #tpu.memory_space<hbm>> -> memref<100000x128xf32, #tpu.memory_space<hbm>>
    tpu.enqueue_indirect_dma source(%dma_start3A_43 : memref<100000x128xf32, #tpu.memory_space<hbm>>) target(%dma_start3A_37 : memref<128x128xf32, #tpu.memory_space<vmem>>) offsets(%dma_start3A_40 : memref<128xi32, #tpu.memory_space<vmem>>) semaphore(%arg19 : memref<!tpu.dma_semaphore, #tpu.memory_space<semaphore_mem>>)
    %dma_wait3A = arith.constant 0 : i32
    %dma_wait3A_44 = arith.constant 0 : i32
    %dma_wait3A_45 = arith.constant 0 : i32
    %dma_wait3A_46 = tpu.memref_slice %arg14[%dma_wait3A_44, %dma_wait3A_45] : memref<512x128xf32, #tpu.memory_space<vmem>> -> memref<128x128xf32, #tpu.memory_space<vmem>>
    %dma_wait3A_47 = arith.constant 0 : i32
    %dma_wait3A_48 = tpu.memref_slice %arg12[%dma_wait3A, %dma_wait3A_47] : memref<4x128xi32, #tpu.memory_space<vmem>> -> memref<1x128xi32, #tpu.memory_space<vmem>>
    %dma_wait3A_49 = tpu.memref_squeeze %dma_wait3A_48 : memref<1x128xi32, #tpu.memory_space<vmem>> -> memref<128xi32, #tpu.memory_space<vmem>>
    %dma_wait3A_50 = arith.constant 0 : i32
    %dma_wait3A_51 = arith.constant 0 : i32
    %dma_wait3A_52 = tpu.memref_slice %arg4[%dma_wait3A_50, %dma_wait3A_51] : memref<100000x128xf32, #tpu.memory_space<hbm>> -> memref<100000x128xf32, #tpu.memory_space<hbm>>
    tpu.wait_indirect_dma semaphore(%arg19 : memref<!tpu.dma_semaphore, #tpu.memory_space<semaphore_mem>>) src(%dma_wait3A_52 : memref<100000x128xf32, #tpu.memory_space<hbm>>) dst(%dma_wait3A_46 : memref<128x128xf32, #tpu.memory_space<vmem>>)
    %dma_wait3A_53 = arith.constant 1 : i32
    %dma_wait3A_54 = arith.constant 128 : i32
    %dma_wait3A_55 = arith.constant 0 : i32
    %dma_wait3A_56 = tpu.memref_slice %arg14[%dma_wait3A_54, %dma_wait3A_55] : memref<512x128xf32, #tpu.memory_space<vmem>> -> memref<128x128xf32, #tpu.memory_space<vmem>>
    %dma_wait3A_57 = arith.constant 0 : i32
    %dma_wait3A_58 = tpu.memref_slice %arg12[%dma_wait3A_53, %dma_wait3A_57] : memref<4x128xi32, #tpu.memory_space<vmem>> -> memref<1x128xi32, #tpu.memory_space<vmem>>
    %dma_wait3A_59 = tpu.memref_squeeze %dma_wait3A_58 : memref<1x128xi32, #tpu.memory_space<vmem>> -> memref<128xi32, #tpu.memory_space<vmem>>
    %dma_wait3A_60 = arith.constant 0 : i32
    %dma_wait3A_61 = arith.constant 0 : i32
    %dma_wait3A_62 = tpu.memref_slice %arg4[%dma_wait3A_60, %dma_wait3A_61] : memref<100000x128xf32, #tpu.memory_space<hbm>> -> memref<100000x128xf32, #tpu.memory_space<hbm>>
    tpu.wait_indirect_dma semaphore(%arg19 : memref<!tpu.dma_semaphore, #tpu.memory_space<semaphore_mem>>) src(%dma_wait3A_62 : memref<100000x128xf32, #tpu.memory_space<hbm>>) dst(%dma_wait3A_56 : memref<128x128xf32, #tpu.memory_space<vmem>>)
    %dma_wait3A_63 = arith.constant 2 : i32
    %dma_wait3A_64 = arith.constant 256 : i32
    %dma_wait3A_65 = arith.constant 0 : i32
    %dma_wait3A_66 = tpu.memref_slice %arg14[%dma_wait3A_64, %dma_wait3A_65] : memref<512x128xf32, #tpu.memory_space<vmem>> -> memref<128x128xf32, #tpu.memory_space<vmem>>
    %dma_wait3A_67 = arith.constant 0 : i32
    %dma_wait3A_68 = tpu.memref_slice %arg12[%dma_wait3A_63, %dma_wait3A_67] : memref<4x128xi32, #tpu.memory_space<vmem>> -> memref<1x128xi32, #tpu.memory_space<vmem>>
    %dma_wait3A_69 = tpu.memref_squeeze %dma_wait3A_68 : memref<1x128xi32, #tpu.memory_space<vmem>> -> memref<128xi32, #tpu.memory_space<vmem>>
    %dma_wait3A_70 = arith.constant 0 : i32
    %dma_wait3A_71 = arith.constant 0 : i32
    %dma_wait3A_72 = tpu.memref_slice %arg4[%dma_wait3A_70, %dma_wait3A_71] : memref<100000x128xf32, #tpu.memory_space<hbm>> -> memref<100000x128xf32, #tpu.memory_space<hbm>>
    tpu.wait_indirect_dma semaphore(%arg19 : memref<!tpu.dma_semaphore, #tpu.memory_space<semaphore_mem>>) src(%dma_wait3A_72 : memref<100000x128xf32, #tpu.memory_space<hbm>>) dst(%dma_wait3A_66 : memref<128x128xf32, #tpu.memory_space<vmem>>)
    %dma_wait3A_73 = arith.constant 3 : i32
    %dma_wait3A_74 = arith.constant 384 : i32
    %dma_wait3A_75 = arith.constant 0 : i32
    %dma_wait3A_76 = tpu.memref_slice %arg14[%dma_wait3A_74, %dma_wait3A_75] : memref<512x128xf32, #tpu.memory_space<vmem>> -> memref<128x128xf32, #tpu.memory_space<vmem>>
    %dma_wait3A_77 = arith.constant 0 : i32
    %dma_wait3A_78 = tpu.memref_slice %arg12[%dma_wait3A_73, %dma_wait3A_77] : memref<4x128xi32, #tpu.memory_space<vmem>> -> memref<1x128xi32, #tpu.memory_space<vmem>>
    %dma_wait3A_79 = tpu.memref_squeeze %dma_wait3A_78 : memref<1x128xi32, #tpu.memory_space<vmem>> -> memref<128xi32, #tpu.memory_space<vmem>>
    %dma_wait3A_80 = arith.constant 0 : i32
    %dma_wait3A_81 = arith.constant 0 : i32
    %dma_wait3A_82 = tpu.memref_slice %arg4[%dma_wait3A_80, %dma_wait3A_81] : memref<100000x128xf32, #tpu.memory_space<hbm>> -> memref<100000x128xf32, #tpu.memory_space<hbm>>
    tpu.wait_indirect_dma semaphore(%arg19 : memref<!tpu.dma_semaphore, #tpu.memory_space<semaphore_mem>>) src(%dma_wait3A_82 : memref<100000x128xf32, #tpu.memory_space<hbm>>) dst(%dma_wait3A_76 : memref<128x128xf32, #tpu.memory_space<vmem>>)
    "tpu.region"() ({
      %run_scoped3A = tpu.sem_alloc : memref<!tpu.dma_semaphore, #tpu.memory_space<semaphore_mem>>
      %dma_start3A_900 = arith.constant 0 : i32
      %dma_start3A_901 = tpu.memref_slice %arg9[%mul3A_2, %dma_start3A_900] : memref<16384x128xf32, #tpu.memory_space<hbm>> -> memref<512x128xf32, #tpu.memory_space<hbm>>
      %dma_start3A_902 = arith.constant 0 : i32
      %dma_start3A_903 = tpu.memref_slice %arg9[%mul3A_2, %dma_start3A_902] : memref<16384x128xf32, #tpu.memory_space<hbm>> -> memref<512x128xf32, #tpu.memory_space<hbm>>
      tpu.enqueue_dma source(%arg14 : memref<512x128xf32, #tpu.memory_space<vmem>>) target(%dma_start3A_903 : memref<512x128xf32, #tpu.memory_space<hbm>>) target_semaphore(%run_scoped3A : memref<!tpu.dma_semaphore, #tpu.memory_space<semaphore_mem>>)
      %dma_wait3A_904 = arith.constant 0 : i32
      %dma_wait3A_905 = tpu.memref_slice %arg9[%mul3A_2, %dma_wait3A_904] : memref<16384x128xf32, #tpu.memory_space<hbm>> -> memref<512x128xf32, #tpu.memory_space<hbm>>
      %dma_wait3A_906 = arith.constant 0 : i32
      %dma_wait3A_907 = tpu.memref_slice %arg9[%mul3A_2, %dma_wait3A_906] : memref<16384x128xf32, #tpu.memory_space<hbm>> -> memref<512x128xf32, #tpu.memory_space<hbm>>
      tpu.wait_dma2 semaphore(%run_scoped3A : memref<!tpu.dma_semaphore, #tpu.memory_space<semaphore_mem>>) src(%arg14 : memref<512x128xf32, #tpu.memory_space<vmem>>) dst(%dma_wait3A_907 : memref<512x128xf32, #tpu.memory_space<hbm>>)
      tpu.yield
    }) : () -> ()
    %dma_start3A_83 = arith.constant 0 : i32
    %dma_start3A_84 = arith.constant 0 : i32
    %dma_start3A_85 = arith.constant 0 : i32
    %dma_start3A_86 = tpu.memref_slice %arg14[%dma_start3A_84, %dma_start3A_85] : memref<512x128xf32, #tpu.memory_space<vmem>> -> memref<128x128xf32, #tpu.memory_space<vmem>>
    %dma_start3A_87 = arith.constant 0 : i32
    %dma_start3A_88 = tpu.memref_slice %arg13[%dma_start3A_83, %dma_start3A_87] : memref<4x128xi32, #tpu.memory_space<vmem>> -> memref<1x128xi32, #tpu.memory_space<vmem>>
    %dma_start3A_89 = tpu.memref_squeeze %dma_start3A_88 : memref<1x128xi32, #tpu.memory_space<vmem>> -> memref<128xi32, #tpu.memory_space<vmem>>
    %dma_start3A_90 = arith.constant 0 : i32
    %dma_start3A_91 = arith.constant 0 : i32
    %dma_start3A_92 = tpu.memref_slice %arg5[%dma_start3A_90, %dma_start3A_91] : memref<100000x128xf32, #tpu.memory_space<hbm>> -> memref<100000x128xf32, #tpu.memory_space<hbm>>
    tpu.enqueue_indirect_dma source(%dma_start3A_92 : memref<100000x128xf32, #tpu.memory_space<hbm>>) target(%dma_start3A_86 : memref<128x128xf32, #tpu.memory_space<vmem>>) offsets(%dma_start3A_89 : memref<128xi32, #tpu.memory_space<vmem>>) semaphore(%arg19 : memref<!tpu.dma_semaphore, #tpu.memory_space<semaphore_mem>>)
    %dma_start3A_93 = arith.constant 1 : i32
    %dma_start3A_94 = arith.constant 128 : i32
    %dma_start3A_95 = arith.constant 0 : i32
    %dma_start3A_96 = tpu.memref_slice %arg14[%dma_start3A_94, %dma_start3A_95] : memref<512x128xf32, #tpu.memory_space<vmem>> -> memref<128x128xf32, #tpu.memory_space<vmem>>
    %dma_start3A_97 = arith.constant 0 : i32
    %dma_start3A_98 = tpu.memref_slice %arg13[%dma_start3A_93, %dma_start3A_97] : memref<4x128xi32, #tpu.memory_space<vmem>> -> memref<1x128xi32, #tpu.memory_space<vmem>>
    %dma_start3A_99 = tpu.memref_squeeze %dma_start3A_98 : memref<1x128xi32, #tpu.memory_space<vmem>> -> memref<128xi32, #tpu.memory_space<vmem>>
    %dma_start3A_100 = arith.constant 0 : i32
    %dma_start3A_101 = arith.constant 0 : i32
    %dma_start3A_102 = tpu.memref_slice %arg5[%dma_start3A_100, %dma_start3A_101] : memref<100000x128xf32, #tpu.memory_space<hbm>> -> memref<100000x128xf32, #tpu.memory_space<hbm>>
    tpu.enqueue_indirect_dma source(%dma_start3A_102 : memref<100000x128xf32, #tpu.memory_space<hbm>>) target(%dma_start3A_96 : memref<128x128xf32, #tpu.memory_space<vmem>>) offsets(%dma_start3A_99 : memref<128xi32, #tpu.memory_space<vmem>>) semaphore(%arg19 : memref<!tpu.dma_semaphore, #tpu.memory_space<semaphore_mem>>)
    %dma_start3A_103 = arith.constant 2 : i32
    %dma_start3A_104 = arith.constant 256 : i32
    %dma_start3A_105 = arith.constant 0 : i32
    %dma_start3A_106 = tpu.memref_slice %arg14[%dma_start3A_104, %dma_start3A_105] : memref<512x128xf32, #tpu.memory_space<vmem>> -> memref<128x128xf32, #tpu.memory_space<vmem>>
    %dma_start3A_107 = arith.constant 0 : i32
    %dma_start3A_108 = tpu.memref_slice %arg13[%dma_start3A_103, %dma_start3A_107] : memref<4x128xi32, #tpu.memory_space<vmem>> -> memref<1x128xi32, #tpu.memory_space<vmem>>
    %dma_start3A_109 = tpu.memref_squeeze %dma_start3A_108 : memref<1x128xi32, #tpu.memory_space<vmem>> -> memref<128xi32, #tpu.memory_space<vmem>>
    %dma_start3A_110 = arith.constant 0 : i32
    %dma_start3A_111 = arith.constant 0 : i32
    %dma_start3A_112 = tpu.memref_slice %arg5[%dma_start3A_110, %dma_start3A_111] : memref<100000x128xf32, #tpu.memory_space<hbm>> -> memref<100000x128xf32, #tpu.memory_space<hbm>>
    tpu.enqueue_indirect_dma source(%dma_start3A_112 : memref<100000x128xf32, #tpu.memory_space<hbm>>) target(%dma_start3A_106 : memref<128x128xf32, #tpu.memory_space<vmem>>) offsets(%dma_start3A_109 : memref<128xi32, #tpu.memory_space<vmem>>) semaphore(%arg19 : memref<!tpu.dma_semaphore, #tpu.memory_space<semaphore_mem>>)
    %dma_start3A_113 = arith.constant 3 : i32
    %dma_start3A_114 = arith.constant 384 : i32
    %dma_start3A_115 = arith.constant 0 : i32
    %dma_start3A_116 = tpu.memref_slice %arg14[%dma_start3A_114, %dma_start3A_115] : memref<512x128xf32, #tpu.memory_space<vmem>> -> memref<128x128xf32, #tpu.memory_space<vmem>>
    %dma_start3A_117 = arith.constant 0 : i32
    %dma_start3A_118 = tpu.memref_slice %arg13[%dma_start3A_113, %dma_start3A_117] : memref<4x128xi32, #tpu.memory_space<vmem>> -> memref<1x128xi32, #tpu.memory_space<vmem>>
    %dma_start3A_119 = tpu.memref_squeeze %dma_start3A_118 : memref<1x128xi32, #tpu.memory_space<vmem>> -> memref<128xi32, #tpu.memory_space<vmem>>
    %dma_start3A_120 = arith.constant 0 : i32
    %dma_start3A_121 = arith.constant 0 : i32
    %dma_start3A_122 = tpu.memref_slice %arg5[%dma_start3A_120, %dma_start3A_121] : memref<100000x128xf32, #tpu.memory_space<hbm>> -> memref<100000x128xf32, #tpu.memory_space<hbm>>
    tpu.enqueue_indirect_dma source(%dma_start3A_122 : memref<100000x128xf32, #tpu.memory_space<hbm>>) target(%dma_start3A_116 : memref<128x128xf32, #tpu.memory_space<vmem>>) offsets(%dma_start3A_119 : memref<128xi32, #tpu.memory_space<vmem>>) semaphore(%arg19 : memref<!tpu.dma_semaphore, #tpu.memory_space<semaphore_mem>>)
    %dma_wait3A_123 = arith.constant 0 : i32
    %dma_wait3A_124 = arith.constant 0 : i32
    %dma_wait3A_125 = arith.constant 0 : i32
    %dma_wait3A_126 = tpu.memref_slice %arg14[%dma_wait3A_124, %dma_wait3A_125] : memref<512x128xf32, #tpu.memory_space<vmem>> -> memref<128x128xf32, #tpu.memory_space<vmem>>
    %dma_wait3A_127 = arith.constant 0 : i32
    %dma_wait3A_128 = tpu.memref_slice %arg13[%dma_wait3A_123, %dma_wait3A_127] : memref<4x128xi32, #tpu.memory_space<vmem>> -> memref<1x128xi32, #tpu.memory_space<vmem>>
    %dma_wait3A_129 = tpu.memref_squeeze %dma_wait3A_128 : memref<1x128xi32, #tpu.memory_space<vmem>> -> memref<128xi32, #tpu.memory_space<vmem>>
    %dma_wait3A_130 = arith.constant 0 : i32
    %dma_wait3A_131 = arith.constant 0 : i32
    %dma_wait3A_132 = tpu.memref_slice %arg5[%dma_wait3A_130, %dma_wait3A_131] : memref<100000x128xf32, #tpu.memory_space<hbm>> -> memref<100000x128xf32, #tpu.memory_space<hbm>>
    tpu.wait_indirect_dma semaphore(%arg19 : memref<!tpu.dma_semaphore, #tpu.memory_space<semaphore_mem>>) src(%dma_wait3A_132 : memref<100000x128xf32, #tpu.memory_space<hbm>>) dst(%dma_wait3A_126 : memref<128x128xf32, #tpu.memory_space<vmem>>)
    %dma_wait3A_133 = arith.constant 1 : i32
    %dma_wait3A_134 = arith.constant 128 : i32
    %dma_wait3A_135 = arith.constant 0 : i32
    %dma_wait3A_136 = tpu.memref_slice %arg14[%dma_wait3A_134, %dma_wait3A_135] : memref<512x128xf32, #tpu.memory_space<vmem>> -> memref<128x128xf32, #tpu.memory_space<vmem>>
    %dma_wait3A_137 = arith.constant 0 : i32
    %dma_wait3A_138 = tpu.memref_slice %arg13[%dma_wait3A_133, %dma_wait3A_137] : memref<4x128xi32, #tpu.memory_space<vmem>> -> memref<1x128xi32, #tpu.memory_space<vmem>>
    %dma_wait3A_139 = tpu.memref_squeeze %dma_wait3A_138 : memref<1x128xi32, #tpu.memory_space<vmem>> -> memref<128xi32, #tpu.memory_space<vmem>>
    %dma_wait3A_140 = arith.constant 0 : i32
    %dma_wait3A_141 = arith.constant 0 : i32
    %dma_wait3A_142 = tpu.memref_slice %arg5[%dma_wait3A_140, %dma_wait3A_141] : memref<100000x128xf32, #tpu.memory_space<hbm>> -> memref<100000x128xf32, #tpu.memory_space<hbm>>
    tpu.wait_indirect_dma semaphore(%arg19 : memref<!tpu.dma_semaphore, #tpu.memory_space<semaphore_mem>>) src(%dma_wait3A_142 : memref<100000x128xf32, #tpu.memory_space<hbm>>) dst(%dma_wait3A_136 : memref<128x128xf32, #tpu.memory_space<vmem>>)
    %dma_wait3A_143 = arith.constant 2 : i32
    %dma_wait3A_144 = arith.constant 256 : i32
    %dma_wait3A_145 = arith.constant 0 : i32
    %dma_wait3A_146 = tpu.memref_slice %arg14[%dma_wait3A_144, %dma_wait3A_145] : memref<512x128xf32, #tpu.memory_space<vmem>> -> memref<128x128xf32, #tpu.memory_space<vmem>>
    %dma_wait3A_147 = arith.constant 0 : i32
    %dma_wait3A_148 = tpu.memref_slice %arg13[%dma_wait3A_143, %dma_wait3A_147] : memref<4x128xi32, #tpu.memory_space<vmem>> -> memref<1x128xi32, #tpu.memory_space<vmem>>
    %dma_wait3A_149 = tpu.memref_squeeze %dma_wait3A_148 : memref<1x128xi32, #tpu.memory_space<vmem>> -> memref<128xi32, #tpu.memory_space<vmem>>
    %dma_wait3A_150 = arith.constant 0 : i32
    %dma_wait3A_151 = arith.constant 0 : i32
    %dma_wait3A_152 = tpu.memref_slice %arg5[%dma_wait3A_150, %dma_wait3A_151] : memref<100000x128xf32, #tpu.memory_space<hbm>> -> memref<100000x128xf32, #tpu.memory_space<hbm>>
    tpu.wait_indirect_dma semaphore(%arg19 : memref<!tpu.dma_semaphore, #tpu.memory_space<semaphore_mem>>) src(%dma_wait3A_152 : memref<100000x128xf32, #tpu.memory_space<hbm>>) dst(%dma_wait3A_146 : memref<128x128xf32, #tpu.memory_space<vmem>>)
    %dma_wait3A_153 = arith.constant 3 : i32
    %dma_wait3A_154 = arith.constant 384 : i32
    %dma_wait3A_155 = arith.constant 0 : i32
    %dma_wait3A_156 = tpu.memref_slice %arg14[%dma_wait3A_154, %dma_wait3A_155] : memref<512x128xf32, #tpu.memory_space<vmem>> -> memref<128x128xf32, #tpu.memory_space<vmem>>
    %dma_wait3A_157 = arith.constant 0 : i32
    %dma_wait3A_158 = tpu.memref_slice %arg13[%dma_wait3A_153, %dma_wait3A_157] : memref<4x128xi32, #tpu.memory_space<vmem>> -> memref<1x128xi32, #tpu.memory_space<vmem>>
    %dma_wait3A_159 = tpu.memref_squeeze %dma_wait3A_158 : memref<1x128xi32, #tpu.memory_space<vmem>> -> memref<128xi32, #tpu.memory_space<vmem>>
    %dma_wait3A_160 = arith.constant 0 : i32
    %dma_wait3A_161 = arith.constant 0 : i32
    %dma_wait3A_162 = tpu.memref_slice %arg5[%dma_wait3A_160, %dma_wait3A_161] : memref<100000x128xf32, #tpu.memory_space<hbm>> -> memref<100000x128xf32, #tpu.memory_space<hbm>>
    tpu.wait_indirect_dma semaphore(%arg19 : memref<!tpu.dma_semaphore, #tpu.memory_space<semaphore_mem>>) src(%dma_wait3A_162 : memref<100000x128xf32, #tpu.memory_space<hbm>>) dst(%dma_wait3A_156 : memref<128x128xf32, #tpu.memory_space<vmem>>)
    "tpu.region"() ({
      %run_scoped3A = tpu.sem_alloc : memref<!tpu.dma_semaphore, #tpu.memory_space<semaphore_mem>>
      %dma_start3A_900 = arith.constant 0 : i32
      %dma_start3A_901 = tpu.memref_slice %arg10[%mul3A_2, %dma_start3A_900] : memref<16384x128xf32, #tpu.memory_space<hbm>> -> memref<512x128xf32, #tpu.memory_space<hbm>>
      %dma_start3A_902 = arith.constant 0 : i32
      %dma_start3A_903 = tpu.memref_slice %arg10[%mul3A_2, %dma_start3A_902] : memref<16384x128xf32, #tpu.memory_space<hbm>> -> memref<512x128xf32, #tpu.memory_space<hbm>>
      tpu.enqueue_dma source(%arg14 : memref<512x128xf32, #tpu.memory_space<vmem>>) target(%dma_start3A_903 : memref<512x128xf32, #tpu.memory_space<hbm>>) target_semaphore(%run_scoped3A : memref<!tpu.dma_semaphore, #tpu.memory_space<semaphore_mem>>)
      %dma_wait3A_904 = arith.constant 0 : i32
      %dma_wait3A_905 = tpu.memref_slice %arg10[%mul3A_2, %dma_wait3A_904] : memref<16384x128xf32, #tpu.memory_space<hbm>> -> memref<512x128xf32, #tpu.memory_space<hbm>>
      %dma_wait3A_906 = arith.constant 0 : i32
      %dma_wait3A_907 = tpu.memref_slice %arg10[%mul3A_2, %dma_wait3A_906] : memref<16384x128xf32, #tpu.memory_space<hbm>> -> memref<512x128xf32, #tpu.memory_space<hbm>>
      tpu.wait_dma2 semaphore(%run_scoped3A : memref<!tpu.dma_semaphore, #tpu.memory_space<semaphore_mem>>) src(%arg14 : memref<512x128xf32, #tpu.memory_space<vmem>>) dst(%dma_wait3A_907 : memref<512x128xf32, #tpu.memory_space<hbm>>)
      tpu.yield
    }) : () -> ()
    %dma_start3A_163 = arith.constant 0 : i32
    %dma_start3A_164 = arith.constant 0 : i32
    %dma_start3A_165 = arith.constant 0 : i32
    %dma_start3A_166 = tpu.memref_slice %arg15[%dma_start3A_164, %dma_start3A_165] : memref<4x128xf32, #tpu.memory_space<vmem>> -> memref<1x128xf32, #tpu.memory_space<vmem>>
    %dma_start3A_167 = tpu.memref_squeeze %dma_start3A_166 : memref<1x128xf32, #tpu.memory_space<vmem>> -> memref<128xf32, #tpu.memory_space<vmem>>
    %dma_start3A_168 = arith.constant 0 : i32
    %dma_start3A_169 = tpu.memref_slice %arg12[%dma_start3A_163, %dma_start3A_168] : memref<4x128xi32, #tpu.memory_space<vmem>> -> memref<1x128xi32, #tpu.memory_space<vmem>>
    %dma_start3A_170 = tpu.memref_squeeze %dma_start3A_169 : memref<1x128xi32, #tpu.memory_space<vmem>> -> memref<128xi32, #tpu.memory_space<vmem>>
    %dma_start3A_171 = arith.constant 0 : i32
    %dma_start3A_172 = tpu.memref_slice %arg6[%dma_start3A_171] : memref<100000xf32, #tpu.memory_space<hbm>> -> memref<100000xf32, #tpu.memory_space<hbm>>
    tpu.enqueue_indirect_dma source(%dma_start3A_172 : memref<100000xf32, #tpu.memory_space<hbm>>) target(%dma_start3A_167 : memref<128xf32, #tpu.memory_space<vmem>>) offsets(%dma_start3A_170 : memref<128xi32, #tpu.memory_space<vmem>>) semaphore(%arg19 : memref<!tpu.dma_semaphore, #tpu.memory_space<semaphore_mem>>)
    %dma_start3A_173 = arith.constant 1 : i32
    %dma_start3A_174 = arith.constant 1 : i32
    %dma_start3A_175 = arith.constant 0 : i32
    %dma_start3A_176 = tpu.memref_slice %arg15[%dma_start3A_174, %dma_start3A_175] : memref<4x128xf32, #tpu.memory_space<vmem>> -> memref<1x128xf32, #tpu.memory_space<vmem>>
    %dma_start3A_177 = tpu.memref_squeeze %dma_start3A_176 : memref<1x128xf32, #tpu.memory_space<vmem>> -> memref<128xf32, #tpu.memory_space<vmem>>
    %dma_start3A_178 = arith.constant 0 : i32
    %dma_start3A_179 = tpu.memref_slice %arg12[%dma_start3A_173, %dma_start3A_178] : memref<4x128xi32, #tpu.memory_space<vmem>> -> memref<1x128xi32, #tpu.memory_space<vmem>>
    %dma_start3A_180 = tpu.memref_squeeze %dma_start3A_179 : memref<1x128xi32, #tpu.memory_space<vmem>> -> memref<128xi32, #tpu.memory_space<vmem>>
    %dma_start3A_181 = arith.constant 0 : i32
    %dma_start3A_182 = tpu.memref_slice %arg6[%dma_start3A_181] : memref<100000xf32, #tpu.memory_space<hbm>> -> memref<100000xf32, #tpu.memory_space<hbm>>
    tpu.enqueue_indirect_dma source(%dma_start3A_182 : memref<100000xf32, #tpu.memory_space<hbm>>) target(%dma_start3A_177 : memref<128xf32, #tpu.memory_space<vmem>>) offsets(%dma_start3A_180 : memref<128xi32, #tpu.memory_space<vmem>>) semaphore(%arg19 : memref<!tpu.dma_semaphore, #tpu.memory_space<semaphore_mem>>)
    %dma_start3A_183 = arith.constant 2 : i32
    %dma_start3A_184 = arith.constant 2 : i32
    %dma_start3A_185 = arith.constant 0 : i32
    %dma_start3A_186 = tpu.memref_slice %arg15[%dma_start3A_184, %dma_start3A_185] : memref<4x128xf32, #tpu.memory_space<vmem>> -> memref<1x128xf32, #tpu.memory_space<vmem>>
    %dma_start3A_187 = tpu.memref_squeeze %dma_start3A_186 : memref<1x128xf32, #tpu.memory_space<vmem>> -> memref<128xf32, #tpu.memory_space<vmem>>
    %dma_start3A_188 = arith.constant 0 : i32
    %dma_start3A_189 = tpu.memref_slice %arg12[%dma_start3A_183, %dma_start3A_188] : memref<4x128xi32, #tpu.memory_space<vmem>> -> memref<1x128xi32, #tpu.memory_space<vmem>>
    %dma_start3A_190 = tpu.memref_squeeze %dma_start3A_189 : memref<1x128xi32, #tpu.memory_space<vmem>> -> memref<128xi32, #tpu.memory_space<vmem>>
    %dma_start3A_191 = arith.constant 0 : i32
    %dma_start3A_192 = tpu.memref_slice %arg6[%dma_start3A_191] : memref<100000xf32, #tpu.memory_space<hbm>> -> memref<100000xf32, #tpu.memory_space<hbm>>
    tpu.enqueue_indirect_dma source(%dma_start3A_192 : memref<100000xf32, #tpu.memory_space<hbm>>) target(%dma_start3A_187 : memref<128xf32, #tpu.memory_space<vmem>>) offsets(%dma_start3A_190 : memref<128xi32, #tpu.memory_space<vmem>>) semaphore(%arg19 : memref<!tpu.dma_semaphore, #tpu.memory_space<semaphore_mem>>)
    %dma_start3A_193 = arith.constant 3 : i32
    %dma_start3A_194 = arith.constant 3 : i32
    %dma_start3A_195 = arith.constant 0 : i32
    %dma_start3A_196 = tpu.memref_slice %arg15[%dma_start3A_194, %dma_start3A_195] : memref<4x128xf32, #tpu.memory_space<vmem>> -> memref<1x128xf32, #tpu.memory_space<vmem>>
    %dma_start3A_197 = tpu.memref_squeeze %dma_start3A_196 : memref<1x128xf32, #tpu.memory_space<vmem>> -> memref<128xf32, #tpu.memory_space<vmem>>
    %dma_start3A_198 = arith.constant 0 : i32
    %dma_start3A_199 = tpu.memref_slice %arg12[%dma_start3A_193, %dma_start3A_198] : memref<4x128xi32, #tpu.memory_space<vmem>> -> memref<1x128xi32, #tpu.memory_space<vmem>>
    %dma_start3A_200 = tpu.memref_squeeze %dma_start3A_199 : memref<1x128xi32, #tpu.memory_space<vmem>> -> memref<128xi32, #tpu.memory_space<vmem>>
    %dma_start3A_201 = arith.constant 0 : i32
    %dma_start3A_202 = tpu.memref_slice %arg6[%dma_start3A_201] : memref<100000xf32, #tpu.memory_space<hbm>> -> memref<100000xf32, #tpu.memory_space<hbm>>
    tpu.enqueue_indirect_dma source(%dma_start3A_202 : memref<100000xf32, #tpu.memory_space<hbm>>) target(%dma_start3A_197 : memref<128xf32, #tpu.memory_space<vmem>>) offsets(%dma_start3A_200 : memref<128xi32, #tpu.memory_space<vmem>>) semaphore(%arg19 : memref<!tpu.dma_semaphore, #tpu.memory_space<semaphore_mem>>)
    %dma_start3A_203 = arith.constant 0 : i32
    %dma_start3A_204 = arith.constant 0 : i32
    %dma_start3A_205 = arith.constant 0 : i32
    %dma_start3A_206 = tpu.memref_slice %arg16[%dma_start3A_204, %dma_start3A_205] : memref<4x128xf32, #tpu.memory_space<vmem>> -> memref<1x128xf32, #tpu.memory_space<vmem>>
    %dma_start3A_207 = tpu.memref_squeeze %dma_start3A_206 : memref<1x128xf32, #tpu.memory_space<vmem>> -> memref<128xf32, #tpu.memory_space<vmem>>
    %dma_start3A_208 = arith.constant 0 : i32
    %dma_start3A_209 = tpu.memref_slice %arg13[%dma_start3A_203, %dma_start3A_208] : memref<4x128xi32, #tpu.memory_space<vmem>> -> memref<1x128xi32, #tpu.memory_space<vmem>>
    %dma_start3A_210 = tpu.memref_squeeze %dma_start3A_209 : memref<1x128xi32, #tpu.memory_space<vmem>> -> memref<128xi32, #tpu.memory_space<vmem>>
    %dma_start3A_211 = arith.constant 0 : i32
    %dma_start3A_212 = tpu.memref_slice %arg7[%dma_start3A_211] : memref<100000xf32, #tpu.memory_space<hbm>> -> memref<100000xf32, #tpu.memory_space<hbm>>
    tpu.enqueue_indirect_dma source(%dma_start3A_212 : memref<100000xf32, #tpu.memory_space<hbm>>) target(%dma_start3A_207 : memref<128xf32, #tpu.memory_space<vmem>>) offsets(%dma_start3A_210 : memref<128xi32, #tpu.memory_space<vmem>>) semaphore(%arg19 : memref<!tpu.dma_semaphore, #tpu.memory_space<semaphore_mem>>)
    %dma_start3A_213 = arith.constant 1 : i32
    %dma_start3A_214 = arith.constant 1 : i32
    %dma_start3A_215 = arith.constant 0 : i32
    %dma_start3A_216 = tpu.memref_slice %arg16[%dma_start3A_214, %dma_start3A_215] : memref<4x128xf32, #tpu.memory_space<vmem>> -> memref<1x128xf32, #tpu.memory_space<vmem>>
    %dma_start3A_217 = tpu.memref_squeeze %dma_start3A_216 : memref<1x128xf32, #tpu.memory_space<vmem>> -> memref<128xf32, #tpu.memory_space<vmem>>
    %dma_start3A_218 = arith.constant 0 : i32
    %dma_start3A_219 = tpu.memref_slice %arg13[%dma_start3A_213, %dma_start3A_218] : memref<4x128xi32, #tpu.memory_space<vmem>> -> memref<1x128xi32, #tpu.memory_space<vmem>>
    %dma_start3A_220 = tpu.memref_squeeze %dma_start3A_219 : memref<1x128xi32, #tpu.memory_space<vmem>> -> memref<128xi32, #tpu.memory_space<vmem>>
    %dma_start3A_221 = arith.constant 0 : i32
    %dma_start3A_222 = tpu.memref_slice %arg7[%dma_start3A_221] : memref<100000xf32, #tpu.memory_space<hbm>> -> memref<100000xf32, #tpu.memory_space<hbm>>
    tpu.enqueue_indirect_dma source(%dma_start3A_222 : memref<100000xf32, #tpu.memory_space<hbm>>) target(%dma_start3A_217 : memref<128xf32, #tpu.memory_space<vmem>>) offsets(%dma_start3A_220 : memref<128xi32, #tpu.memory_space<vmem>>) semaphore(%arg19 : memref<!tpu.dma_semaphore, #tpu.memory_space<semaphore_mem>>)
    %dma_start3A_223 = arith.constant 2 : i32
    %dma_start3A_224 = arith.constant 2 : i32
    %dma_start3A_225 = arith.constant 0 : i32
    %dma_start3A_226 = tpu.memref_slice %arg16[%dma_start3A_224, %dma_start3A_225] : memref<4x128xf32, #tpu.memory_space<vmem>> -> memref<1x128xf32, #tpu.memory_space<vmem>>
    %dma_start3A_227 = tpu.memref_squeeze %dma_start3A_226 : memref<1x128xf32, #tpu.memory_space<vmem>> -> memref<128xf32, #tpu.memory_space<vmem>>
    %dma_start3A_228 = arith.constant 0 : i32
    %dma_start3A_229 = tpu.memref_slice %arg13[%dma_start3A_223, %dma_start3A_228] : memref<4x128xi32, #tpu.memory_space<vmem>> -> memref<1x128xi32, #tpu.memory_space<vmem>>
    %dma_start3A_230 = tpu.memref_squeeze %dma_start3A_229 : memref<1x128xi32, #tpu.memory_space<vmem>> -> memref<128xi32, #tpu.memory_space<vmem>>
    %dma_start3A_231 = arith.constant 0 : i32
    %dma_start3A_232 = tpu.memref_slice %arg7[%dma_start3A_231] : memref<100000xf32, #tpu.memory_space<hbm>> -> memref<100000xf32, #tpu.memory_space<hbm>>
    tpu.enqueue_indirect_dma source(%dma_start3A_232 : memref<100000xf32, #tpu.memory_space<hbm>>) target(%dma_start3A_227 : memref<128xf32, #tpu.memory_space<vmem>>) offsets(%dma_start3A_230 : memref<128xi32, #tpu.memory_space<vmem>>) semaphore(%arg19 : memref<!tpu.dma_semaphore, #tpu.memory_space<semaphore_mem>>)
    %dma_start3A_233 = arith.constant 3 : i32
    %dma_start3A_234 = arith.constant 3 : i32
    %dma_start3A_235 = arith.constant 0 : i32
    %dma_start3A_236 = tpu.memref_slice %arg16[%dma_start3A_234, %dma_start3A_235] : memref<4x128xf32, #tpu.memory_space<vmem>> -> memref<1x128xf32, #tpu.memory_space<vmem>>
    %dma_start3A_237 = tpu.memref_squeeze %dma_start3A_236 : memref<1x128xf32, #tpu.memory_space<vmem>> -> memref<128xf32, #tpu.memory_space<vmem>>
    %dma_start3A_238 = arith.constant 0 : i32
    %dma_start3A_239 = tpu.memref_slice %arg13[%dma_start3A_233, %dma_start3A_238] : memref<4x128xi32, #tpu.memory_space<vmem>> -> memref<1x128xi32, #tpu.memory_space<vmem>>
    %dma_start3A_240 = tpu.memref_squeeze %dma_start3A_239 : memref<1x128xi32, #tpu.memory_space<vmem>> -> memref<128xi32, #tpu.memory_space<vmem>>
    %dma_start3A_241 = arith.constant 0 : i32
    %dma_start3A_242 = tpu.memref_slice %arg7[%dma_start3A_241] : memref<100000xf32, #tpu.memory_space<hbm>> -> memref<100000xf32, #tpu.memory_space<hbm>>
    tpu.enqueue_indirect_dma source(%dma_start3A_242 : memref<100000xf32, #tpu.memory_space<hbm>>) target(%dma_start3A_237 : memref<128xf32, #tpu.memory_space<vmem>>) offsets(%dma_start3A_240 : memref<128xi32, #tpu.memory_space<vmem>>) semaphore(%arg19 : memref<!tpu.dma_semaphore, #tpu.memory_space<semaphore_mem>>)
    %dma_wait3A_243 = arith.constant 0 : i32
    %dma_wait3A_244 = arith.constant 0 : i32
    %dma_wait3A_245 = arith.constant 0 : i32
    %dma_wait3A_246 = tpu.memref_slice %arg15[%dma_wait3A_244, %dma_wait3A_245] : memref<4x128xf32, #tpu.memory_space<vmem>> -> memref<1x128xf32, #tpu.memory_space<vmem>>
    %dma_wait3A_247 = tpu.memref_squeeze %dma_wait3A_246 : memref<1x128xf32, #tpu.memory_space<vmem>> -> memref<128xf32, #tpu.memory_space<vmem>>
    %dma_wait3A_248 = arith.constant 0 : i32
    %dma_wait3A_249 = tpu.memref_slice %arg12[%dma_wait3A_243, %dma_wait3A_248] : memref<4x128xi32, #tpu.memory_space<vmem>> -> memref<1x128xi32, #tpu.memory_space<vmem>>
    %dma_wait3A_250 = tpu.memref_squeeze %dma_wait3A_249 : memref<1x128xi32, #tpu.memory_space<vmem>> -> memref<128xi32, #tpu.memory_space<vmem>>
    %dma_wait3A_251 = arith.constant 0 : i32
    %dma_wait3A_252 = tpu.memref_slice %arg6[%dma_wait3A_251] : memref<100000xf32, #tpu.memory_space<hbm>> -> memref<100000xf32, #tpu.memory_space<hbm>>
    tpu.wait_indirect_dma semaphore(%arg19 : memref<!tpu.dma_semaphore, #tpu.memory_space<semaphore_mem>>) src(%dma_wait3A_252 : memref<100000xf32, #tpu.memory_space<hbm>>) dst(%dma_wait3A_247 : memref<128xf32, #tpu.memory_space<vmem>>)
    %dma_wait3A_253 = arith.constant 1 : i32
    %dma_wait3A_254 = arith.constant 1 : i32
    %dma_wait3A_255 = arith.constant 0 : i32
    %dma_wait3A_256 = tpu.memref_slice %arg15[%dma_wait3A_254, %dma_wait3A_255] : memref<4x128xf32, #tpu.memory_space<vmem>> -> memref<1x128xf32, #tpu.memory_space<vmem>>
    %dma_wait3A_257 = tpu.memref_squeeze %dma_wait3A_256 : memref<1x128xf32, #tpu.memory_space<vmem>> -> memref<128xf32, #tpu.memory_space<vmem>>
    %dma_wait3A_258 = arith.constant 0 : i32
    %dma_wait3A_259 = tpu.memref_slice %arg12[%dma_wait3A_253, %dma_wait3A_258] : memref<4x128xi32, #tpu.memory_space<vmem>> -> memref<1x128xi32, #tpu.memory_space<vmem>>
    %dma_wait3A_260 = tpu.memref_squeeze %dma_wait3A_259 : memref<1x128xi32, #tpu.memory_space<vmem>> -> memref<128xi32, #tpu.memory_space<vmem>>
    %dma_wait3A_261 = arith.constant 0 : i32
    %dma_wait3A_262 = tpu.memref_slice %arg6[%dma_wait3A_261] : memref<100000xf32, #tpu.memory_space<hbm>> -> memref<100000xf32, #tpu.memory_space<hbm>>
    tpu.wait_indirect_dma semaphore(%arg19 : memref<!tpu.dma_semaphore, #tpu.memory_space<semaphore_mem>>) src(%dma_wait3A_262 : memref<100000xf32, #tpu.memory_space<hbm>>) dst(%dma_wait3A_257 : memref<128xf32, #tpu.memory_space<vmem>>)
    %dma_wait3A_263 = arith.constant 2 : i32
    %dma_wait3A_264 = arith.constant 2 : i32
    %dma_wait3A_265 = arith.constant 0 : i32
    %dma_wait3A_266 = tpu.memref_slice %arg15[%dma_wait3A_264, %dma_wait3A_265] : memref<4x128xf32, #tpu.memory_space<vmem>> -> memref<1x128xf32, #tpu.memory_space<vmem>>
    %dma_wait3A_267 = tpu.memref_squeeze %dma_wait3A_266 : memref<1x128xf32, #tpu.memory_space<vmem>> -> memref<128xf32, #tpu.memory_space<vmem>>
    %dma_wait3A_268 = arith.constant 0 : i32
    %dma_wait3A_269 = tpu.memref_slice %arg12[%dma_wait3A_263, %dma_wait3A_268] : memref<4x128xi32, #tpu.memory_space<vmem>> -> memref<1x128xi32, #tpu.memory_space<vmem>>
    %dma_wait3A_270 = tpu.memref_squeeze %dma_wait3A_269 : memref<1x128xi32, #tpu.memory_space<vmem>> -> memref<128xi32, #tpu.memory_space<vmem>>
    %dma_wait3A_271 = arith.constant 0 : i32
    %dma_wait3A_272 = tpu.memref_slice %arg6[%dma_wait3A_271] : memref<100000xf32, #tpu.memory_space<hbm>> -> memref<100000xf32, #tpu.memory_space<hbm>>
    tpu.wait_indirect_dma semaphore(%arg19 : memref<!tpu.dma_semaphore, #tpu.memory_space<semaphore_mem>>) src(%dma_wait3A_272 : memref<100000xf32, #tpu.memory_space<hbm>>) dst(%dma_wait3A_267 : memref<128xf32, #tpu.memory_space<vmem>>)
    %dma_wait3A_273 = arith.constant 3 : i32
    %dma_wait3A_274 = arith.constant 3 : i32
    %dma_wait3A_275 = arith.constant 0 : i32
    %dma_wait3A_276 = tpu.memref_slice %arg15[%dma_wait3A_274, %dma_wait3A_275] : memref<4x128xf32, #tpu.memory_space<vmem>> -> memref<1x128xf32, #tpu.memory_space<vmem>>
    %dma_wait3A_277 = tpu.memref_squeeze %dma_wait3A_276 : memref<1x128xf32, #tpu.memory_space<vmem>> -> memref<128xf32, #tpu.memory_space<vmem>>
    %dma_wait3A_278 = arith.constant 0 : i32
    %dma_wait3A_279 = tpu.memref_slice %arg12[%dma_wait3A_273, %dma_wait3A_278] : memref<4x128xi32, #tpu.memory_space<vmem>> -> memref<1x128xi32, #tpu.memory_space<vmem>>
    %dma_wait3A_280 = tpu.memref_squeeze %dma_wait3A_279 : memref<1x128xi32, #tpu.memory_space<vmem>> -> memref<128xi32, #tpu.memory_space<vmem>>
    %dma_wait3A_281 = arith.constant 0 : i32
    %dma_wait3A_282 = tpu.memref_slice %arg6[%dma_wait3A_281] : memref<100000xf32, #tpu.memory_space<hbm>> -> memref<100000xf32, #tpu.memory_space<hbm>>
    tpu.wait_indirect_dma semaphore(%arg19 : memref<!tpu.dma_semaphore, #tpu.memory_space<semaphore_mem>>) src(%dma_wait3A_282 : memref<100000xf32, #tpu.memory_space<hbm>>) dst(%dma_wait3A_277 : memref<128xf32, #tpu.memory_space<vmem>>)
    %dma_wait3A_283 = arith.constant 0 : i32
    %dma_wait3A_284 = arith.constant 0 : i32
    %dma_wait3A_285 = arith.constant 0 : i32
    %dma_wait3A_286 = tpu.memref_slice %arg16[%dma_wait3A_284, %dma_wait3A_285] : memref<4x128xf32, #tpu.memory_space<vmem>> -> memref<1x128xf32, #tpu.memory_space<vmem>>
    %dma_wait3A_287 = tpu.memref_squeeze %dma_wait3A_286 : memref<1x128xf32, #tpu.memory_space<vmem>> -> memref<128xf32, #tpu.memory_space<vmem>>
    %dma_wait3A_288 = arith.constant 0 : i32
    %dma_wait3A_289 = tpu.memref_slice %arg13[%dma_wait3A_283, %dma_wait3A_288] : memref<4x128xi32, #tpu.memory_space<vmem>> -> memref<1x128xi32, #tpu.memory_space<vmem>>
    %dma_wait3A_290 = tpu.memref_squeeze %dma_wait3A_289 : memref<1x128xi32, #tpu.memory_space<vmem>> -> memref<128xi32, #tpu.memory_space<vmem>>
    %dma_wait3A_291 = arith.constant 0 : i32
    %dma_wait3A_292 = tpu.memref_slice %arg7[%dma_wait3A_291] : memref<100000xf32, #tpu.memory_space<hbm>> -> memref<100000xf32, #tpu.memory_space<hbm>>
    tpu.wait_indirect_dma semaphore(%arg19 : memref<!tpu.dma_semaphore, #tpu.memory_space<semaphore_mem>>) src(%dma_wait3A_292 : memref<100000xf32, #tpu.memory_space<hbm>>) dst(%dma_wait3A_287 : memref<128xf32, #tpu.memory_space<vmem>>)
    %dma_wait3A_293 = arith.constant 1 : i32
    %dma_wait3A_294 = arith.constant 1 : i32
    %dma_wait3A_295 = arith.constant 0 : i32
    %dma_wait3A_296 = tpu.memref_slice %arg16[%dma_wait3A_294, %dma_wait3A_295] : memref<4x128xf32, #tpu.memory_space<vmem>> -> memref<1x128xf32, #tpu.memory_space<vmem>>
    %dma_wait3A_297 = tpu.memref_squeeze %dma_wait3A_296 : memref<1x128xf32, #tpu.memory_space<vmem>> -> memref<128xf32, #tpu.memory_space<vmem>>
    %dma_wait3A_298 = arith.constant 0 : i32
    %dma_wait3A_299 = tpu.memref_slice %arg13[%dma_wait3A_293, %dma_wait3A_298] : memref<4x128xi32, #tpu.memory_space<vmem>> -> memref<1x128xi32, #tpu.memory_space<vmem>>
    %dma_wait3A_300 = tpu.memref_squeeze %dma_wait3A_299 : memref<1x128xi32, #tpu.memory_space<vmem>> -> memref<128xi32, #tpu.memory_space<vmem>>
    %dma_wait3A_301 = arith.constant 0 : i32
    %dma_wait3A_302 = tpu.memref_slice %arg7[%dma_wait3A_301] : memref<100000xf32, #tpu.memory_space<hbm>> -> memref<100000xf32, #tpu.memory_space<hbm>>
    tpu.wait_indirect_dma semaphore(%arg19 : memref<!tpu.dma_semaphore, #tpu.memory_space<semaphore_mem>>) src(%dma_wait3A_302 : memref<100000xf32, #tpu.memory_space<hbm>>) dst(%dma_wait3A_297 : memref<128xf32, #tpu.memory_space<vmem>>)
    %dma_wait3A_303 = arith.constant 2 : i32
    %dma_wait3A_304 = arith.constant 2 : i32
    %dma_wait3A_305 = arith.constant 0 : i32
    %dma_wait3A_306 = tpu.memref_slice %arg16[%dma_wait3A_304, %dma_wait3A_305] : memref<4x128xf32, #tpu.memory_space<vmem>> -> memref<1x128xf32, #tpu.memory_space<vmem>>
    %dma_wait3A_307 = tpu.memref_squeeze %dma_wait3A_306 : memref<1x128xf32, #tpu.memory_space<vmem>> -> memref<128xf32, #tpu.memory_space<vmem>>
    %dma_wait3A_308 = arith.constant 0 : i32
    %dma_wait3A_309 = tpu.memref_slice %arg13[%dma_wait3A_303, %dma_wait3A_308] : memref<4x128xi32, #tpu.memory_space<vmem>> -> memref<1x128xi32, #tpu.memory_space<vmem>>
    %dma_wait3A_310 = tpu.memref_squeeze %dma_wait3A_309 : memref<1x128xi32, #tpu.memory_space<vmem>> -> memref<128xi32, #tpu.memory_space<vmem>>
    %dma_wait3A_311 = arith.constant 0 : i32
    %dma_wait3A_312 = tpu.memref_slice %arg7[%dma_wait3A_311] : memref<100000xf32, #tpu.memory_space<hbm>> -> memref<100000xf32, #tpu.memory_space<hbm>>
    tpu.wait_indirect_dma semaphore(%arg19 : memref<!tpu.dma_semaphore, #tpu.memory_space<semaphore_mem>>) src(%dma_wait3A_312 : memref<100000xf32, #tpu.memory_space<hbm>>) dst(%dma_wait3A_307 : memref<128xf32, #tpu.memory_space<vmem>>)
    %dma_wait3A_313 = arith.constant 3 : i32
    %dma_wait3A_314 = arith.constant 3 : i32
    %dma_wait3A_315 = arith.constant 0 : i32
    %dma_wait3A_316 = tpu.memref_slice %arg16[%dma_wait3A_314, %dma_wait3A_315] : memref<4x128xf32, #tpu.memory_space<vmem>> -> memref<1x128xf32, #tpu.memory_space<vmem>>
    %dma_wait3A_317 = tpu.memref_squeeze %dma_wait3A_316 : memref<1x128xf32, #tpu.memory_space<vmem>> -> memref<128xf32, #tpu.memory_space<vmem>>
    %dma_wait3A_318 = arith.constant 0 : i32
    %dma_wait3A_319 = tpu.memref_slice %arg13[%dma_wait3A_313, %dma_wait3A_318] : memref<4x128xi32, #tpu.memory_space<vmem>> -> memref<1x128xi32, #tpu.memory_space<vmem>>
    %dma_wait3A_320 = tpu.memref_squeeze %dma_wait3A_319 : memref<1x128xi32, #tpu.memory_space<vmem>> -> memref<128xi32, #tpu.memory_space<vmem>>
    %dma_wait3A_321 = arith.constant 0 : i32
    %dma_wait3A_322 = tpu.memref_slice %arg7[%dma_wait3A_321] : memref<100000xf32, #tpu.memory_space<hbm>> -> memref<100000xf32, #tpu.memory_space<hbm>>
    tpu.wait_indirect_dma semaphore(%arg19 : memref<!tpu.dma_semaphore, #tpu.memory_space<semaphore_mem>>) src(%dma_wait3A_322 : memref<100000xf32, #tpu.memory_space<hbm>>) dst(%dma_wait3A_317 : memref<128xf32, #tpu.memory_space<vmem>>)
    %get3A = arith.constant 0 : index
    %get3A_323 = tpu.vector_load %arg18[%get3A] {strides = array<i32>} : memref<16xf32, #tpu.memory_space<vmem>>, vector<16xf32>,
    %get3A_324 = vector.shape_cast %get3A_323 : vector<16xf32> to vector<16xf32>
    %get3A_325 = arith.constant 0 : i32
    %get3A_326 = arith.index_cast %get3A_325 : i32 to index
    %get3A_327 = arith.constant 0 : index
    %get3A_328 = tpu.vector_load %arg15[%get3A_326, %get3A_327] {strides = array<i32>} : memref<4x128xf32, #tpu.memory_space<vmem>>, vector<1x16xf32>,
    %get3A_329 = vector.shape_cast %get3A_328 : vector<1x16xf32> to vector<16xf32>
    %get3A_330 = arith.constant 0 : i32
    %get3A_331 = arith.index_cast %get3A_330 : i32 to index
    %get3A_332 = arith.constant 0 : index
    %get3A_333 = tpu.vector_load %arg16[%get3A_331, %get3A_332] {strides = array<i32>} : memref<4x128xf32, #tpu.memory_space<vmem>>, vector<1x16xf32>,
    %get3A_334 = vector.shape_cast %get3A_333 : vector<1x16xf32> to vector<16xf32>
    %add3A_335 = arith.addf %get3A_329, %get3A_334 : vector<16xf32>
    %add3A_336 = arith.addf %add3A_335, %get3A_324 : vector<16xf32>
    %swap3A = arith.constant 0 : i32
    %swap3A_337 = arith.index_cast %swap3A : i32 to index
    %swap3A_338 = arith.constant 0 : index
    %swap3A_339 = tpu.vector_load %arg17[%swap3A_337, %swap3A_338] {strides = array<i32>} : memref<4x128xf32, #tpu.memory_space<vmem>>, vector<1x16xf32>,
    %swap3A_340 = vector.shape_cast %swap3A_339 : vector<1x16xf32> to vector<16xf32>
    %swap3A_341 = vector.shape_cast %add3A_336 : vector<16xf32> to vector<1x16xf32>
    tpu.vector_store %arg17[%swap3A_337, %swap3A_338], %swap3A_341 {strides = array<i32>} : memref<4x128xf32, #tpu.memory_space<vmem>>, vector<1x16xf32>,
    %get3A_342 = arith.constant 0 : i32
    %get3A_343 = arith.index_cast %get3A_342 : i32 to index
    %get3A_344 = arith.constant 16 : index
    %get3A_345 = tpu.vector_load %arg15[%get3A_343, %get3A_344] {strides = array<i32>} : memref<4x128xf32, #tpu.memory_space<vmem>>, vector<1x16xf32>,
    %get3A_346 = vector.shape_cast %get3A_345 : vector<1x16xf32> to vector<16xf32>
    %get3A_347 = arith.constant 0 : i32
    %get3A_348 = arith.index_cast %get3A_347 : i32 to index
    %get3A_349 = arith.constant 16 : index
    %get3A_350 = tpu.vector_load %arg16[%get3A_348, %get3A_349] {strides = array<i32>} : memref<4x128xf32, #tpu.memory_space<vmem>>, vector<1x16xf32>,
    %get3A_351 = vector.shape_cast %get3A_350 : vector<1x16xf32> to vector<16xf32>
    %add3A_352 = arith.addf %get3A_346, %get3A_351 : vector<16xf32>
    %add3A_353 = arith.addf %add3A_352, %get3A_324 : vector<16xf32>
    %swap3A_354 = arith.constant 0 : i32
    %swap3A_355 = arith.index_cast %swap3A_354 : i32 to index
    %swap3A_356 = arith.constant 16 : index
    %swap3A_357 = tpu.vector_load %arg17[%swap3A_355, %swap3A_356] {strides = array<i32>} : memref<4x128xf32, #tpu.memory_space<vmem>>, vector<1x16xf32>,
    %swap3A_358 = vector.shape_cast %swap3A_357 : vector<1x16xf32> to vector<16xf32>
    %swap3A_359 = vector.shape_cast %add3A_353 : vector<16xf32> to vector<1x16xf32>
    tpu.vector_store %arg17[%swap3A_355, %swap3A_356], %swap3A_359 {strides = array<i32>} : memref<4x128xf32, #tpu.memory_space<vmem>>, vector<1x16xf32>,
    %get3A_360 = arith.constant 0 : i32
    %get3A_361 = arith.index_cast %get3A_360 : i32 to index
    %get3A_362 = arith.constant 32 : index
    %get3A_363 = tpu.vector_load %arg15[%get3A_361, %get3A_362] {strides = array<i32>} : memref<4x128xf32, #tpu.memory_space<vmem>>, vector<1x16xf32>,
    %get3A_364 = vector.shape_cast %get3A_363 : vector<1x16xf32> to vector<16xf32>
    %get3A_365 = arith.constant 0 : i32
    %get3A_366 = arith.index_cast %get3A_365 : i32 to index
    %get3A_367 = arith.constant 32 : index
    %get3A_368 = tpu.vector_load %arg16[%get3A_366, %get3A_367] {strides = array<i32>} : memref<4x128xf32, #tpu.memory_space<vmem>>, vector<1x16xf32>,
    %get3A_369 = vector.shape_cast %get3A_368 : vector<1x16xf32> to vector<16xf32>
    %add3A_370 = arith.addf %get3A_364, %get3A_369 : vector<16xf32>
    %add3A_371 = arith.addf %add3A_370, %get3A_324 : vector<16xf32>
    %swap3A_372 = arith.constant 0 : i32
    %swap3A_373 = arith.index_cast %swap3A_372 : i32 to index
    %swap3A_374 = arith.constant 32 : index
    %swap3A_375 = tpu.vector_load %arg17[%swap3A_373, %swap3A_374] {strides = array<i32>} : memref<4x128xf32, #tpu.memory_space<vmem>>, vector<1x16xf32>,
    %swap3A_376 = vector.shape_cast %swap3A_375 : vector<1x16xf32> to vector<16xf32>
    %swap3A_377 = vector.shape_cast %add3A_371 : vector<16xf32> to vector<1x16xf32>
    tpu.vector_store %arg17[%swap3A_373, %swap3A_374], %swap3A_377 {strides = array<i32>} : memref<4x128xf32, #tpu.memory_space<vmem>>, vector<1x16xf32>,
    %get3A_378 = arith.constant 0 : i32
    %get3A_379 = arith.index_cast %get3A_378 : i32 to index
    %get3A_380 = arith.constant 48 : index
    %get3A_381 = tpu.vector_load %arg15[%get3A_379, %get3A_380] {strides = array<i32>} : memref<4x128xf32, #tpu.memory_space<vmem>>, vector<1x16xf32>,
    %get3A_382 = vector.shape_cast %get3A_381 : vector<1x16xf32> to vector<16xf32>
    %get3A_383 = arith.constant 0 : i32
    %get3A_384 = arith.index_cast %get3A_383 : i32 to index
    %get3A_385 = arith.constant 48 : index
    %get3A_386 = tpu.vector_load %arg16[%get3A_384, %get3A_385] {strides = array<i32>} : memref<4x128xf32, #tpu.memory_space<vmem>>, vector<1x16xf32>,
    %get3A_387 = vector.shape_cast %get3A_386 : vector<1x16xf32> to vector<16xf32>
    %add3A_388 = arith.addf %get3A_382, %get3A_387 : vector<16xf32>
    %add3A_389 = arith.addf %add3A_388, %get3A_324 : vector<16xf32>
    %swap3A_390 = arith.constant 0 : i32
    %swap3A_391 = arith.index_cast %swap3A_390 : i32 to index
    %swap3A_392 = arith.constant 48 : index
    %swap3A_393 = tpu.vector_load %arg17[%swap3A_391, %swap3A_392] {strides = array<i32>} : memref<4x128xf32, #tpu.memory_space<vmem>>, vector<1x16xf32>,
    %swap3A_394 = vector.shape_cast %swap3A_393 : vector<1x16xf32> to vector<16xf32>
    %swap3A_395 = vector.shape_cast %add3A_389 : vector<16xf32> to vector<1x16xf32>
    tpu.vector_store %arg17[%swap3A_391, %swap3A_392], %swap3A_395 {strides = array<i32>} : memref<4x128xf32, #tpu.memory_space<vmem>>, vector<1x16xf32>,
    %get3A_396 = arith.constant 0 : i32
    %get3A_397 = arith.index_cast %get3A_396 : i32 to index
    %get3A_398 = arith.constant 64 : index
    %get3A_399 = tpu.vector_load %arg15[%get3A_397, %get3A_398] {strides = array<i32>} : memref<4x128xf32, #tpu.memory_space<vmem>>, vector<1x16xf32>,
    %get3A_400 = vector.shape_cast %get3A_399 : vector<1x16xf32> to vector<16xf32>
    %get3A_401 = arith.constant 0 : i32
    %get3A_402 = arith.index_cast %get3A_401 : i32 to index
    %get3A_403 = arith.constant 64 : index
    %get3A_404 = tpu.vector_load %arg16[%get3A_402, %get3A_403] {strides = array<i32>} : memref<4x128xf32, #tpu.memory_space<vmem>>, vector<1x16xf32>,
    %get3A_405 = vector.shape_cast %get3A_404 : vector<1x16xf32> to vector<16xf32>
    %add3A_406 = arith.addf %get3A_400, %get3A_405 : vector<16xf32>
    %add3A_407 = arith.addf %add3A_406, %get3A_324 : vector<16xf32>
    %swap3A_408 = arith.constant 0 : i32
    %swap3A_409 = arith.index_cast %swap3A_408 : i32 to index
    %swap3A_410 = arith.constant 64 : index
    %swap3A_411 = tpu.vector_load %arg17[%swap3A_409, %swap3A_410] {strides = array<i32>} : memref<4x128xf32, #tpu.memory_space<vmem>>, vector<1x16xf32>,
    %swap3A_412 = vector.shape_cast %swap3A_411 : vector<1x16xf32> to vector<16xf32>
    %swap3A_413 = vector.shape_cast %add3A_407 : vector<16xf32> to vector<1x16xf32>
    tpu.vector_store %arg17[%swap3A_409, %swap3A_410], %swap3A_413 {strides = array<i32>} : memref<4x128xf32, #tpu.memory_space<vmem>>, vector<1x16xf32>,
    %get3A_414 = arith.constant 0 : i32
    %get3A_415 = arith.index_cast %get3A_414 : i32 to index
    %get3A_416 = arith.constant 80 : index
    %get3A_417 = tpu.vector_load %arg15[%get3A_415, %get3A_416] {strides = array<i32>} : memref<4x128xf32, #tpu.memory_space<vmem>>, vector<1x16xf32>,
    %get3A_418 = vector.shape_cast %get3A_417 : vector<1x16xf32> to vector<16xf32>
    %get3A_419 = arith.constant 0 : i32
    %get3A_420 = arith.index_cast %get3A_419 : i32 to index
    %get3A_421 = arith.constant 80 : index
    %get3A_422 = tpu.vector_load %arg16[%get3A_420, %get3A_421] {strides = array<i32>} : memref<4x128xf32, #tpu.memory_space<vmem>>, vector<1x16xf32>,
    %get3A_423 = vector.shape_cast %get3A_422 : vector<1x16xf32> to vector<16xf32>
    %add3A_424 = arith.addf %get3A_418, %get3A_423 : vector<16xf32>
    %add3A_425 = arith.addf %add3A_424, %get3A_324 : vector<16xf32>
    %swap3A_426 = arith.constant 0 : i32
    %swap3A_427 = arith.index_cast %swap3A_426 : i32 to index
    %swap3A_428 = arith.constant 80 : index
    %swap3A_429 = tpu.vector_load %arg17[%swap3A_427, %swap3A_428] {strides = array<i32>} : memref<4x128xf32, #tpu.memory_space<vmem>>, vector<1x16xf32>,
    %swap3A_430 = vector.shape_cast %swap3A_429 : vector<1x16xf32> to vector<16xf32>
    %swap3A_431 = vector.shape_cast %add3A_425 : vector<16xf32> to vector<1x16xf32>
    tpu.vector_store %arg17[%swap3A_427, %swap3A_428], %swap3A_431 {strides = array<i32>} : memref<4x128xf32, #tpu.memory_space<vmem>>, vector<1x16xf32>,
    %get3A_432 = arith.constant 0 : i32
    %get3A_433 = arith.index_cast %get3A_432 : i32 to index
    %get3A_434 = arith.constant 96 : index
    %get3A_435 = tpu.vector_load %arg15[%get3A_433, %get3A_434] {strides = array<i32>} : memref<4x128xf32, #tpu.memory_space<vmem>>, vector<1x16xf32>,
    %get3A_436 = vector.shape_cast %get3A_435 : vector<1x16xf32> to vector<16xf32>
    %get3A_437 = arith.constant 0 : i32
    %get3A_438 = arith.index_cast %get3A_437 : i32 to index
    %get3A_439 = arith.constant 96 : index
    %get3A_440 = tpu.vector_load %arg16[%get3A_438, %get3A_439] {strides = array<i32>} : memref<4x128xf32, #tpu.memory_space<vmem>>, vector<1x16xf32>,
    %get3A_441 = vector.shape_cast %get3A_440 : vector<1x16xf32> to vector<16xf32>
    %add3A_442 = arith.addf %get3A_436, %get3A_441 : vector<16xf32>
    %add3A_443 = arith.addf %add3A_442, %get3A_324 : vector<16xf32>
    %swap3A_444 = arith.constant 0 : i32
    %swap3A_445 = arith.index_cast %swap3A_444 : i32 to index
    %swap3A_446 = arith.constant 96 : index
    %swap3A_447 = tpu.vector_load %arg17[%swap3A_445, %swap3A_446] {strides = array<i32>} : memref<4x128xf32, #tpu.memory_space<vmem>>, vector<1x16xf32>,
    %swap3A_448 = vector.shape_cast %swap3A_447 : vector<1x16xf32> to vector<16xf32>
    %swap3A_449 = vector.shape_cast %add3A_443 : vector<16xf32> to vector<1x16xf32>
    tpu.vector_store %arg17[%swap3A_445, %swap3A_446], %swap3A_449 {strides = array<i32>} : memref<4x128xf32, #tpu.memory_space<vmem>>, vector<1x16xf32>,
    %get3A_450 = arith.constant 0 : i32
    %get3A_451 = arith.index_cast %get3A_450 : i32 to index
    %get3A_452 = arith.constant 112 : index
    %get3A_453 = tpu.vector_load %arg15[%get3A_451, %get3A_452] {strides = array<i32>} : memref<4x128xf32, #tpu.memory_space<vmem>>, vector<1x16xf32>,
    %get3A_454 = vector.shape_cast %get3A_453 : vector<1x16xf32> to vector<16xf32>
    %get3A_455 = arith.constant 0 : i32
    %get3A_456 = arith.index_cast %get3A_455 : i32 to index
    %get3A_457 = arith.constant 112 : index
    %get3A_458 = tpu.vector_load %arg16[%get3A_456, %get3A_457] {strides = array<i32>} : memref<4x128xf32, #tpu.memory_space<vmem>>, vector<1x16xf32>,
    %get3A_459 = vector.shape_cast %get3A_458 : vector<1x16xf32> to vector<16xf32>
    %add3A_460 = arith.addf %get3A_454, %get3A_459 : vector<16xf32>
    %add3A_461 = arith.addf %add3A_460, %get3A_324 : vector<16xf32>
    %swap3A_462 = arith.constant 0 : i32
    %swap3A_463 = arith.index_cast %swap3A_462 : i32 to index
    %swap3A_464 = arith.constant 112 : index
    %swap3A_465 = tpu.vector_load %arg17[%swap3A_463, %swap3A_464] {strides = array<i32>} : memref<4x128xf32, #tpu.memory_space<vmem>>, vector<1x16xf32>,
    %swap3A_466 = vector.shape_cast %swap3A_465 : vector<1x16xf32> to vector<16xf32>
    %swap3A_467 = vector.shape_cast %add3A_461 : vector<16xf32> to vector<1x16xf32>
    tpu.vector_store %arg17[%swap3A_463, %swap3A_464], %swap3A_467 {strides = array<i32>} : memref<4x128xf32, #tpu.memory_space<vmem>>, vector<1x16xf32>,
    %get3A_468 = arith.constant 1 : i32
    %get3A_469 = arith.index_cast %get3A_468 : i32 to index
    %get3A_470 = arith.constant 0 : index
    %get3A_471 = tpu.vector_load %arg15[%get3A_469, %get3A_470] {strides = array<i32>} : memref<4x128xf32, #tpu.memory_space<vmem>>, vector<1x16xf32>,
    %get3A_472 = vector.shape_cast %get3A_471 : vector<1x16xf32> to vector<16xf32>
    %get3A_473 = arith.constant 1 : i32
    %get3A_474 = arith.index_cast %get3A_473 : i32 to index
    %get3A_475 = arith.constant 0 : index
    %get3A_476 = tpu.vector_load %arg16[%get3A_474, %get3A_475] {strides = array<i32>} : memref<4x128xf32, #tpu.memory_space<vmem>>, vector<1x16xf32>,
    %get3A_477 = vector.shape_cast %get3A_476 : vector<1x16xf32> to vector<16xf32>
    %add3A_478 = arith.addf %get3A_472, %get3A_477 : vector<16xf32>
    %add3A_479 = arith.addf %add3A_478, %get3A_324 : vector<16xf32>
    %swap3A_480 = arith.constant 1 : i32
    %swap3A_481 = arith.index_cast %swap3A_480 : i32 to index
    %swap3A_482 = arith.constant 0 : index
    %swap3A_483 = tpu.vector_load %arg17[%swap3A_481, %swap3A_482] {strides = array<i32>} : memref<4x128xf32, #tpu.memory_space<vmem>>, vector<1x16xf32>,
    %swap3A_484 = vector.shape_cast %swap3A_483 : vector<1x16xf32> to vector<16xf32>
    %swap3A_485 = vector.shape_cast %add3A_479 : vector<16xf32> to vector<1x16xf32>
    tpu.vector_store %arg17[%swap3A_481, %swap3A_482], %swap3A_485 {strides = array<i32>} : memref<4x128xf32, #tpu.memory_space<vmem>>, vector<1x16xf32>,
    %get3A_486 = arith.constant 1 : i32
    %get3A_487 = arith.index_cast %get3A_486 : i32 to index
    %get3A_488 = arith.constant 16 : index
    %get3A_489 = tpu.vector_load %arg15[%get3A_487, %get3A_488] {strides = array<i32>} : memref<4x128xf32, #tpu.memory_space<vmem>>, vector<1x16xf32>,
    %get3A_490 = vector.shape_cast %get3A_489 : vector<1x16xf32> to vector<16xf32>
    %get3A_491 = arith.constant 1 : i32
    %get3A_492 = arith.index_cast %get3A_491 : i32 to index
    %get3A_493 = arith.constant 16 : index
    %get3A_494 = tpu.vector_load %arg16[%get3A_492, %get3A_493] {strides = array<i32>} : memref<4x128xf32, #tpu.memory_space<vmem>>, vector<1x16xf32>,
    %get3A_495 = vector.shape_cast %get3A_494 : vector<1x16xf32> to vector<16xf32>
    %add3A_496 = arith.addf %get3A_490, %get3A_495 : vector<16xf32>
    %add3A_497 = arith.addf %add3A_496, %get3A_324 : vector<16xf32>
    %swap3A_498 = arith.constant 1 : i32
    %swap3A_499 = arith.index_cast %swap3A_498 : i32 to index
    %swap3A_500 = arith.constant 16 : index
    %swap3A_501 = tpu.vector_load %arg17[%swap3A_499, %swap3A_500] {strides = array<i32>} : memref<4x128xf32, #tpu.memory_space<vmem>>, vector<1x16xf32>,
    %swap3A_502 = vector.shape_cast %swap3A_501 : vector<1x16xf32> to vector<16xf32>
    %swap3A_503 = vector.shape_cast %add3A_497 : vector<16xf32> to vector<1x16xf32>
    tpu.vector_store %arg17[%swap3A_499, %swap3A_500], %swap3A_503 {strides = array<i32>} : memref<4x128xf32, #tpu.memory_space<vmem>>, vector<1x16xf32>,
    %get3A_504 = arith.constant 1 : i32
    %get3A_505 = arith.index_cast %get3A_504 : i32 to index
    %get3A_506 = arith.constant 32 : index
    %get3A_507 = tpu.vector_load %arg15[%get3A_505, %get3A_506] {strides = array<i32>} : memref<4x128xf32, #tpu.memory_space<vmem>>, vector<1x16xf32>,
    %get3A_508 = vector.shape_cast %get3A_507 : vector<1x16xf32> to vector<16xf32>
    %get3A_509 = arith.constant 1 : i32
    %get3A_510 = arith.index_cast %get3A_509 : i32 to index
    %get3A_511 = arith.constant 32 : index
    %get3A_512 = tpu.vector_load %arg16[%get3A_510, %get3A_511] {strides = array<i32>} : memref<4x128xf32, #tpu.memory_space<vmem>>, vector<1x16xf32>,
    %get3A_513 = vector.shape_cast %get3A_512 : vector<1x16xf32> to vector<16xf32>
    %add3A_514 = arith.addf %get3A_508, %get3A_513 : vector<16xf32>
    %add3A_515 = arith.addf %add3A_514, %get3A_324 : vector<16xf32>
    %swap3A_516 = arith.constant 1 : i32
    %swap3A_517 = arith.index_cast %swap3A_516 : i32 to index
    %swap3A_518 = arith.constant 32 : index
    %swap3A_519 = tpu.vector_load %arg17[%swap3A_517, %swap3A_518] {strides = array<i32>} : memref<4x128xf32, #tpu.memory_space<vmem>>, vector<1x16xf32>,
    %swap3A_520 = vector.shape_cast %swap3A_519 : vector<1x16xf32> to vector<16xf32>
    %swap3A_521 = vector.shape_cast %add3A_515 : vector<16xf32> to vector<1x16xf32>
    tpu.vector_store %arg17[%swap3A_517, %swap3A_518], %swap3A_521 {strides = array<i32>} : memref<4x128xf32, #tpu.memory_space<vmem>>, vector<1x16xf32>,
    %get3A_522 = arith.constant 1 : i32
    %get3A_523 = arith.index_cast %get3A_522 : i32 to index
    %get3A_524 = arith.constant 48 : index
    %get3A_525 = tpu.vector_load %arg15[%get3A_523, %get3A_524] {strides = array<i32>} : memref<4x128xf32, #tpu.memory_space<vmem>>, vector<1x16xf32>,
    %get3A_526 = vector.shape_cast %get3A_525 : vector<1x16xf32> to vector<16xf32>
    %get3A_527 = arith.constant 1 : i32
    %get3A_528 = arith.index_cast %get3A_527 : i32 to index
    %get3A_529 = arith.constant 48 : index
    %get3A_530 = tpu.vector_load %arg16[%get3A_528, %get3A_529] {strides = array<i32>} : memref<4x128xf32, #tpu.memory_space<vmem>>, vector<1x16xf32>,
    %get3A_531 = vector.shape_cast %get3A_530 : vector<1x16xf32> to vector<16xf32>
    %add3A_532 = arith.addf %get3A_526, %get3A_531 : vector<16xf32>
    %add3A_533 = arith.addf %add3A_532, %get3A_324 : vector<16xf32>
    %swap3A_534 = arith.constant 1 : i32
    %swap3A_535 = arith.index_cast %swap3A_534 : i32 to index
    %swap3A_536 = arith.constant 48 : index
    %swap3A_537 = tpu.vector_load %arg17[%swap3A_535, %swap3A_536] {strides = array<i32>} : memref<4x128xf32, #tpu.memory_space<vmem>>, vector<1x16xf32>,
    %swap3A_538 = vector.shape_cast %swap3A_537 : vector<1x16xf32> to vector<16xf32>
    %swap3A_539 = vector.shape_cast %add3A_533 : vector<16xf32> to vector<1x16xf32>
    tpu.vector_store %arg17[%swap3A_535, %swap3A_536], %swap3A_539 {strides = array<i32>} : memref<4x128xf32, #tpu.memory_space<vmem>>, vector<1x16xf32>,
    %get3A_540 = arith.constant 1 : i32
    %get3A_541 = arith.index_cast %get3A_540 : i32 to index
    %get3A_542 = arith.constant 64 : index
    %get3A_543 = tpu.vector_load %arg15[%get3A_541, %get3A_542] {strides = array<i32>} : memref<4x128xf32, #tpu.memory_space<vmem>>, vector<1x16xf32>,
    %get3A_544 = vector.shape_cast %get3A_543 : vector<1x16xf32> to vector<16xf32>
    %get3A_545 = arith.constant 1 : i32
    %get3A_546 = arith.index_cast %get3A_545 : i32 to index
    %get3A_547 = arith.constant 64 : index
    %get3A_548 = tpu.vector_load %arg16[%get3A_546, %get3A_547] {strides = array<i32>} : memref<4x128xf32, #tpu.memory_space<vmem>>, vector<1x16xf32>,
    %get3A_549 = vector.shape_cast %get3A_548 : vector<1x16xf32> to vector<16xf32>
    %add3A_550 = arith.addf %get3A_544, %get3A_549 : vector<16xf32>
    %add3A_551 = arith.addf %add3A_550, %get3A_324 : vector<16xf32>
    %swap3A_552 = arith.constant 1 : i32
    %swap3A_553 = arith.index_cast %swap3A_552 : i32 to index
    %swap3A_554 = arith.constant 64 : index
    %swap3A_555 = tpu.vector_load %arg17[%swap3A_553, %swap3A_554] {strides = array<i32>} : memref<4x128xf32, #tpu.memory_space<vmem>>, vector<1x16xf32>,
    %swap3A_556 = vector.shape_cast %swap3A_555 : vector<1x16xf32> to vector<16xf32>
    %swap3A_557 = vector.shape_cast %add3A_551 : vector<16xf32> to vector<1x16xf32>
    tpu.vector_store %arg17[%swap3A_553, %swap3A_554], %swap3A_557 {strides = array<i32>} : memref<4x128xf32, #tpu.memory_space<vmem>>, vector<1x16xf32>,
    %get3A_558 = arith.constant 1 : i32
    %get3A_559 = arith.index_cast %get3A_558 : i32 to index
    %get3A_560 = arith.constant 80 : index
    %get3A_561 = tpu.vector_load %arg15[%get3A_559, %get3A_560] {strides = array<i32>} : memref<4x128xf32, #tpu.memory_space<vmem>>, vector<1x16xf32>,
    %get3A_562 = vector.shape_cast %get3A_561 : vector<1x16xf32> to vector<16xf32>
    %get3A_563 = arith.constant 1 : i32
    %get3A_564 = arith.index_cast %get3A_563 : i32 to index
    %get3A_565 = arith.constant 80 : index
    %get3A_566 = tpu.vector_load %arg16[%get3A_564, %get3A_565] {strides = array<i32>} : memref<4x128xf32, #tpu.memory_space<vmem>>, vector<1x16xf32>,
    %get3A_567 = vector.shape_cast %get3A_566 : vector<1x16xf32> to vector<16xf32>
    %add3A_568 = arith.addf %get3A_562, %get3A_567 : vector<16xf32>
    %add3A_569 = arith.addf %add3A_568, %get3A_324 : vector<16xf32>
    %swap3A_570 = arith.constant 1 : i32
    %swap3A_571 = arith.index_cast %swap3A_570 : i32 to index
    %swap3A_572 = arith.constant 80 : index
    %swap3A_573 = tpu.vector_load %arg17[%swap3A_571, %swap3A_572] {strides = array<i32>} : memref<4x128xf32, #tpu.memory_space<vmem>>, vector<1x16xf32>,
    %swap3A_574 = vector.shape_cast %swap3A_573 : vector<1x16xf32> to vector<16xf32>
    %swap3A_575 = vector.shape_cast %add3A_569 : vector<16xf32> to vector<1x16xf32>
    tpu.vector_store %arg17[%swap3A_571, %swap3A_572], %swap3A_575 {strides = array<i32>} : memref<4x128xf32, #tpu.memory_space<vmem>>, vector<1x16xf32>,
    %get3A_576 = arith.constant 1 : i32
    %get3A_577 = arith.index_cast %get3A_576 : i32 to index
    %get3A_578 = arith.constant 96 : index
    %get3A_579 = tpu.vector_load %arg15[%get3A_577, %get3A_578] {strides = array<i32>} : memref<4x128xf32, #tpu.memory_space<vmem>>, vector<1x16xf32>,
    %get3A_580 = vector.shape_cast %get3A_579 : vector<1x16xf32> to vector<16xf32>
    %get3A_581 = arith.constant 1 : i32
    %get3A_582 = arith.index_cast %get3A_581 : i32 to index
    %get3A_583 = arith.constant 96 : index
    %get3A_584 = tpu.vector_load %arg16[%get3A_582, %get3A_583] {strides = array<i32>} : memref<4x128xf32, #tpu.memory_space<vmem>>, vector<1x16xf32>,
    %get3A_585 = vector.shape_cast %get3A_584 : vector<1x16xf32> to vector<16xf32>
    %add3A_586 = arith.addf %get3A_580, %get3A_585 : vector<16xf32>
    %add3A_587 = arith.addf %add3A_586, %get3A_324 : vector<16xf32>
    %swap3A_588 = arith.constant 1 : i32
    %swap3A_589 = arith.index_cast %swap3A_588 : i32 to index
    %swap3A_590 = arith.constant 96 : index
    %swap3A_591 = tpu.vector_load %arg17[%swap3A_589, %swap3A_590] {strides = array<i32>} : memref<4x128xf32, #tpu.memory_space<vmem>>, vector<1x16xf32>,
    %swap3A_592 = vector.shape_cast %swap3A_591 : vector<1x16xf32> to vector<16xf32>
    %swap3A_593 = vector.shape_cast %add3A_587 : vector<16xf32> to vector<1x16xf32>
    tpu.vector_store %arg17[%swap3A_589, %swap3A_590], %swap3A_593 {strides = array<i32>} : memref<4x128xf32, #tpu.memory_space<vmem>>, vector<1x16xf32>,
    %get3A_594 = arith.constant 1 : i32
    %get3A_595 = arith.index_cast %get3A_594 : i32 to index
    %get3A_596 = arith.constant 112 : index
    %get3A_597 = tpu.vector_load %arg15[%get3A_595, %get3A_596] {strides = array<i32>} : memref<4x128xf32, #tpu.memory_space<vmem>>, vector<1x16xf32>,
    %get3A_598 = vector.shape_cast %get3A_597 : vector<1x16xf32> to vector<16xf32>
    %get3A_599 = arith.constant 1 : i32
    %get3A_600 = arith.index_cast %get3A_599 : i32 to index
    %get3A_601 = arith.constant 112 : index
    %get3A_602 = tpu.vector_load %arg16[%get3A_600, %get3A_601] {strides = array<i32>} : memref<4x128xf32, #tpu.memory_space<vmem>>, vector<1x16xf32>,
    %get3A_603 = vector.shape_cast %get3A_602 : vector<1x16xf32> to vector<16xf32>
    %add3A_604 = arith.addf %get3A_598, %get3A_603 : vector<16xf32>
    %add3A_605 = arith.addf %add3A_604, %get3A_324 : vector<16xf32>
    %swap3A_606 = arith.constant 1 : i32
    %swap3A_607 = arith.index_cast %swap3A_606 : i32 to index
    %swap3A_608 = arith.constant 112 : index
    %swap3A_609 = tpu.vector_load %arg17[%swap3A_607, %swap3A_608] {strides = array<i32>} : memref<4x128xf32, #tpu.memory_space<vmem>>, vector<1x16xf32>,
    %swap3A_610 = vector.shape_cast %swap3A_609 : vector<1x16xf32> to vector<16xf32>
    %swap3A_611 = vector.shape_cast %add3A_605 : vector<16xf32> to vector<1x16xf32>
    tpu.vector_store %arg17[%swap3A_607, %swap3A_608], %swap3A_611 {strides = array<i32>} : memref<4x128xf32, #tpu.memory_space<vmem>>, vector<1x16xf32>,
    %get3A_612 = arith.constant 2 : i32
    %get3A_613 = arith.index_cast %get3A_612 : i32 to index
    %get3A_614 = arith.constant 0 : index
    %get3A_615 = tpu.vector_load %arg15[%get3A_613, %get3A_614] {strides = array<i32>} : memref<4x128xf32, #tpu.memory_space<vmem>>, vector<1x16xf32>,
    %get3A_616 = vector.shape_cast %get3A_615 : vector<1x16xf32> to vector<16xf32>
    %get3A_617 = arith.constant 2 : i32
    %get3A_618 = arith.index_cast %get3A_617 : i32 to index
    %get3A_619 = arith.constant 0 : index
    %get3A_620 = tpu.vector_load %arg16[%get3A_618, %get3A_619] {strides = array<i32>} : memref<4x128xf32, #tpu.memory_space<vmem>>, vector<1x16xf32>,
    %get3A_621 = vector.shape_cast %get3A_620 : vector<1x16xf32> to vector<16xf32>
    %add3A_622 = arith.addf %get3A_616, %get3A_621 : vector<16xf32>
    %add3A_623 = arith.addf %add3A_622, %get3A_324 : vector<16xf32>
    %swap3A_624 = arith.constant 2 : i32
    %swap3A_625 = arith.index_cast %swap3A_624 : i32 to index
    %swap3A_626 = arith.constant 0 : index
    %swap3A_627 = tpu.vector_load %arg17[%swap3A_625, %swap3A_626] {strides = array<i32>} : memref<4x128xf32, #tpu.memory_space<vmem>>, vector<1x16xf32>,
    %swap3A_628 = vector.shape_cast %swap3A_627 : vector<1x16xf32> to vector<16xf32>
    %swap3A_629 = vector.shape_cast %add3A_623 : vector<16xf32> to vector<1x16xf32>
    tpu.vector_store %arg17[%swap3A_625, %swap3A_626], %swap3A_629 {strides = array<i32>} : memref<4x128xf32, #tpu.memory_space<vmem>>, vector<1x16xf32>,
    %get3A_630 = arith.constant 2 : i32
    %get3A_631 = arith.index_cast %get3A_630 : i32 to index
    %get3A_632 = arith.constant 16 : index
    %get3A_633 = tpu.vector_load %arg15[%get3A_631, %get3A_632] {strides = array<i32>} : memref<4x128xf32, #tpu.memory_space<vmem>>, vector<1x16xf32>,
    %get3A_634 = vector.shape_cast %get3A_633 : vector<1x16xf32> to vector<16xf32>
    %get3A_635 = arith.constant 2 : i32
    %get3A_636 = arith.index_cast %get3A_635 : i32 to index
    %get3A_637 = arith.constant 16 : index
    %get3A_638 = tpu.vector_load %arg16[%get3A_636, %get3A_637] {strides = array<i32>} : memref<4x128xf32, #tpu.memory_space<vmem>>, vector<1x16xf32>,
    %get3A_639 = vector.shape_cast %get3A_638 : vector<1x16xf32> to vector<16xf32>
    %add3A_640 = arith.addf %get3A_634, %get3A_639 : vector<16xf32>
    %add3A_641 = arith.addf %add3A_640, %get3A_324 : vector<16xf32>
    %swap3A_642 = arith.constant 2 : i32
    %swap3A_643 = arith.index_cast %swap3A_642 : i32 to index
    %swap3A_644 = arith.constant 16 : index
    %swap3A_645 = tpu.vector_load %arg17[%swap3A_643, %swap3A_644] {strides = array<i32>} : memref<4x128xf32, #tpu.memory_space<vmem>>, vector<1x16xf32>,
    %swap3A_646 = vector.shape_cast %swap3A_645 : vector<1x16xf32> to vector<16xf32>
    %swap3A_647 = vector.shape_cast %add3A_641 : vector<16xf32> to vector<1x16xf32>
    tpu.vector_store %arg17[%swap3A_643, %swap3A_644], %swap3A_647 {strides = array<i32>} : memref<4x128xf32, #tpu.memory_space<vmem>>, vector<1x16xf32>,
    %get3A_648 = arith.constant 2 : i32
    %get3A_649 = arith.index_cast %get3A_648 : i32 to index
    %get3A_650 = arith.constant 32 : index
    %get3A_651 = tpu.vector_load %arg15[%get3A_649, %get3A_650] {strides = array<i32>} : memref<4x128xf32, #tpu.memory_space<vmem>>, vector<1x16xf32>,
    %get3A_652 = vector.shape_cast %get3A_651 : vector<1x16xf32> to vector<16xf32>
    %get3A_653 = arith.constant 2 : i32
    %get3A_654 = arith.index_cast %get3A_653 : i32 to index
    %get3A_655 = arith.constant 32 : index
    %get3A_656 = tpu.vector_load %arg16[%get3A_654, %get3A_655] {strides = array<i32>} : memref<4x128xf32, #tpu.memory_space<vmem>>, vector<1x16xf32>,
    %get3A_657 = vector.shape_cast %get3A_656 : vector<1x16xf32> to vector<16xf32>
    %add3A_658 = arith.addf %get3A_652, %get3A_657 : vector<16xf32>
    %add3A_659 = arith.addf %add3A_658, %get3A_324 : vector<16xf32>
    %swap3A_660 = arith.constant 2 : i32
    %swap3A_661 = arith.index_cast %swap3A_660 : i32 to index
    %swap3A_662 = arith.constant 32 : index
    %swap3A_663 = tpu.vector_load %arg17[%swap3A_661, %swap3A_662] {strides = array<i32>} : memref<4x128xf32, #tpu.memory_space<vmem>>, vector<1x16xf32>,
    %swap3A_664 = vector.shape_cast %swap3A_663 : vector<1x16xf32> to vector<16xf32>
    %swap3A_665 = vector.shape_cast %add3A_659 : vector<16xf32> to vector<1x16xf32>
    tpu.vector_store %arg17[%swap3A_661, %swap3A_662], %swap3A_665 {strides = array<i32>} : memref<4x128xf32, #tpu.memory_space<vmem>>, vector<1x16xf32>,
    %get3A_666 = arith.constant 2 : i32
    %get3A_667 = arith.index_cast %get3A_666 : i32 to index
    %get3A_668 = arith.constant 48 : index
    %get3A_669 = tpu.vector_load %arg15[%get3A_667, %get3A_668] {strides = array<i32>} : memref<4x128xf32, #tpu.memory_space<vmem>>, vector<1x16xf32>,
    %get3A_670 = vector.shape_cast %get3A_669 : vector<1x16xf32> to vector<16xf32>
    %get3A_671 = arith.constant 2 : i32
    %get3A_672 = arith.index_cast %get3A_671 : i32 to index
    %get3A_673 = arith.constant 48 : index
    %get3A_674 = tpu.vector_load %arg16[%get3A_672, %get3A_673] {strides = array<i32>} : memref<4x128xf32, #tpu.memory_space<vmem>>, vector<1x16xf32>,
    %get3A_675 = vector.shape_cast %get3A_674 : vector<1x16xf32> to vector<16xf32>
    %add3A_676 = arith.addf %get3A_670, %get3A_675 : vector<16xf32>
    %add3A_677 = arith.addf %add3A_676, %get3A_324 : vector<16xf32>
    %swap3A_678 = arith.constant 2 : i32
    %swap3A_679 = arith.index_cast %swap3A_678 : i32 to index
    %swap3A_680 = arith.constant 48 : index
    %swap3A_681 = tpu.vector_load %arg17[%swap3A_679, %swap3A_680] {strides = array<i32>} : memref<4x128xf32, #tpu.memory_space<vmem>>, vector<1x16xf32>,
    %swap3A_682 = vector.shape_cast %swap3A_681 : vector<1x16xf32> to vector<16xf32>
    %swap3A_683 = vector.shape_cast %add3A_677 : vector<16xf32> to vector<1x16xf32>
    tpu.vector_store %arg17[%swap3A_679, %swap3A_680], %swap3A_683 {strides = array<i32>} : memref<4x128xf32, #tpu.memory_space<vmem>>, vector<1x16xf32>,
    %get3A_684 = arith.constant 2 : i32
    %get3A_685 = arith.index_cast %get3A_684 : i32 to index
    %get3A_686 = arith.constant 64 : index
    %get3A_687 = tpu.vector_load %arg15[%get3A_685, %get3A_686] {strides = array<i32>} : memref<4x128xf32, #tpu.memory_space<vmem>>, vector<1x16xf32>,
    %get3A_688 = vector.shape_cast %get3A_687 : vector<1x16xf32> to vector<16xf32>
    %get3A_689 = arith.constant 2 : i32
    %get3A_690 = arith.index_cast %get3A_689 : i32 to index
    %get3A_691 = arith.constant 64 : index
    %get3A_692 = tpu.vector_load %arg16[%get3A_690, %get3A_691] {strides = array<i32>} : memref<4x128xf32, #tpu.memory_space<vmem>>, vector<1x16xf32>,
    %get3A_693 = vector.shape_cast %get3A_692 : vector<1x16xf32> to vector<16xf32>
    %add3A_694 = arith.addf %get3A_688, %get3A_693 : vector<16xf32>
    %add3A_695 = arith.addf %add3A_694, %get3A_324 : vector<16xf32>
    %swap3A_696 = arith.constant 2 : i32
    %swap3A_697 = arith.index_cast %swap3A_696 : i32 to index
    %swap3A_698 = arith.constant 64 : index
    %swap3A_699 = tpu.vector_load %arg17[%swap3A_697, %swap3A_698] {strides = array<i32>} : memref<4x128xf32, #tpu.memory_space<vmem>>, vector<1x16xf32>,
    %swap3A_700 = vector.shape_cast %swap3A_699 : vector<1x16xf32> to vector<16xf32>
    %swap3A_701 = vector.shape_cast %add3A_695 : vector<16xf32> to vector<1x16xf32>
    tpu.vector_store %arg17[%swap3A_697, %swap3A_698], %swap3A_701 {strides = array<i32>} : memref<4x128xf32, #tpu.memory_space<vmem>>, vector<1x16xf32>,
    %get3A_702 = arith.constant 2 : i32
    %get3A_703 = arith.index_cast %get3A_702 : i32 to index
    %get3A_704 = arith.constant 80 : index
    %get3A_705 = tpu.vector_load %arg15[%get3A_703, %get3A_704] {strides = array<i32>} : memref<4x128xf32, #tpu.memory_space<vmem>>, vector<1x16xf32>,
    %get3A_706 = vector.shape_cast %get3A_705 : vector<1x16xf32> to vector<16xf32>
    %get3A_707 = arith.constant 2 : i32
    %get3A_708 = arith.index_cast %get3A_707 : i32 to index
    %get3A_709 = arith.constant 80 : index
    %get3A_710 = tpu.vector_load %arg16[%get3A_708, %get3A_709] {strides = array<i32>} : memref<4x128xf32, #tpu.memory_space<vmem>>, vector<1x16xf32>,
    %get3A_711 = vector.shape_cast %get3A_710 : vector<1x16xf32> to vector<16xf32>
    %add3A_712 = arith.addf %get3A_706, %get3A_711 : vector<16xf32>
    %add3A_713 = arith.addf %add3A_712, %get3A_324 : vector<16xf32>
    %swap3A_714 = arith.constant 2 : i32
    %swap3A_715 = arith.index_cast %swap3A_714 : i32 to index
    %swap3A_716 = arith.constant 80 : index
    %swap3A_717 = tpu.vector_load %arg17[%swap3A_715, %swap3A_716] {strides = array<i32>} : memref<4x128xf32, #tpu.memory_space<vmem>>, vector<1x16xf32>,
    %swap3A_718 = vector.shape_cast %swap3A_717 : vector<1x16xf32> to vector<16xf32>
    %swap3A_719 = vector.shape_cast %add3A_713 : vector<16xf32> to vector<1x16xf32>
    tpu.vector_store %arg17[%swap3A_715, %swap3A_716], %swap3A_719 {strides = array<i32>} : memref<4x128xf32, #tpu.memory_space<vmem>>, vector<1x16xf32>,
    %get3A_720 = arith.constant 2 : i32
    %get3A_721 = arith.index_cast %get3A_720 : i32 to index
    %get3A_722 = arith.constant 96 : index
    %get3A_723 = tpu.vector_load %arg15[%get3A_721, %get3A_722] {strides = array<i32>} : memref<4x128xf32, #tpu.memory_space<vmem>>, vector<1x16xf32>,
    %get3A_724 = vector.shape_cast %get3A_723 : vector<1x16xf32> to vector<16xf32>
    %get3A_725 = arith.constant 2 : i32
    %get3A_726 = arith.index_cast %get3A_725 : i32 to index
    %get3A_727 = arith.constant 96 : index
    %get3A_728 = tpu.vector_load %arg16[%get3A_726, %get3A_727] {strides = array<i32>} : memref<4x128xf32, #tpu.memory_space<vmem>>, vector<1x16xf32>,
    %get3A_729 = vector.shape_cast %get3A_728 : vector<1x16xf32> to vector<16xf32>
    %add3A_730 = arith.addf %get3A_724, %get3A_729 : vector<16xf32>
    %add3A_731 = arith.addf %add3A_730, %get3A_324 : vector<16xf32>
    %swap3A_732 = arith.constant 2 : i32
    %swap3A_733 = arith.index_cast %swap3A_732 : i32 to index
    %swap3A_734 = arith.constant 96 : index
    %swap3A_735 = tpu.vector_load %arg17[%swap3A_733, %swap3A_734] {strides = array<i32>} : memref<4x128xf32, #tpu.memory_space<vmem>>, vector<1x16xf32>,
    %swap3A_736 = vector.shape_cast %swap3A_735 : vector<1x16xf32> to vector<16xf32>
    %swap3A_737 = vector.shape_cast %add3A_731 : vector<16xf32> to vector<1x16xf32>
    tpu.vector_store %arg17[%swap3A_733, %swap3A_734], %swap3A_737 {strides = array<i32>} : memref<4x128xf32, #tpu.memory_space<vmem>>, vector<1x16xf32>,
    %get3A_738 = arith.constant 2 : i32
    %get3A_739 = arith.index_cast %get3A_738 : i32 to index
    %get3A_740 = arith.constant 112 : index
    %get3A_741 = tpu.vector_load %arg15[%get3A_739, %get3A_740] {strides = array<i32>} : memref<4x128xf32, #tpu.memory_space<vmem>>, vector<1x16xf32>,
    %get3A_742 = vector.shape_cast %get3A_741 : vector<1x16xf32> to vector<16xf32>
    %get3A_743 = arith.constant 2 : i32
    %get3A_744 = arith.index_cast %get3A_743 : i32 to index
    %get3A_745 = arith.constant 112 : index
    %get3A_746 = tpu.vector_load %arg16[%get3A_744, %get3A_745] {strides = array<i32>} : memref<4x128xf32, #tpu.memory_space<vmem>>, vector<1x16xf32>,
    %get3A_747 = vector.shape_cast %get3A_746 : vector<1x16xf32> to vector<16xf32>
    %add3A_748 = arith.addf %get3A_742, %get3A_747 : vector<16xf32>
    %add3A_749 = arith.addf %add3A_748, %get3A_324 : vector<16xf32>
    %swap3A_750 = arith.constant 2 : i32
    %swap3A_751 = arith.index_cast %swap3A_750 : i32 to index
    %swap3A_752 = arith.constant 112 : index
    %swap3A_753 = tpu.vector_load %arg17[%swap3A_751, %swap3A_752] {strides = array<i32>} : memref<4x128xf32, #tpu.memory_space<vmem>>, vector<1x16xf32>,
    %swap3A_754 = vector.shape_cast %swap3A_753 : vector<1x16xf32> to vector<16xf32>
    %swap3A_755 = vector.shape_cast %add3A_749 : vector<16xf32> to vector<1x16xf32>
    tpu.vector_store %arg17[%swap3A_751, %swap3A_752], %swap3A_755 {strides = array<i32>} : memref<4x128xf32, #tpu.memory_space<vmem>>, vector<1x16xf32>,
    %get3A_756 = arith.constant 3 : i32
    %get3A_757 = arith.index_cast %get3A_756 : i32 to index
    %get3A_758 = arith.constant 0 : index
    %get3A_759 = tpu.vector_load %arg15[%get3A_757, %get3A_758] {strides = array<i32>} : memref<4x128xf32, #tpu.memory_space<vmem>>, vector<1x16xf32>,
    %get3A_760 = vector.shape_cast %get3A_759 : vector<1x16xf32> to vector<16xf32>
    %get3A_761 = arith.constant 3 : i32
    %get3A_762 = arith.index_cast %get3A_761 : i32 to index
    %get3A_763 = arith.constant 0 : index
    %get3A_764 = tpu.vector_load %arg16[%get3A_762, %get3A_763] {strides = array<i32>} : memref<4x128xf32, #tpu.memory_space<vmem>>, vector<1x16xf32>,
    %get3A_765 = vector.shape_cast %get3A_764 : vector<1x16xf32> to vector<16xf32>
    %add3A_766 = arith.addf %get3A_760, %get3A_765 : vector<16xf32>
    %add3A_767 = arith.addf %add3A_766, %get3A_324 : vector<16xf32>
    %swap3A_768 = arith.constant 3 : i32
    %swap3A_769 = arith.index_cast %swap3A_768 : i32 to index
    %swap3A_770 = arith.constant 0 : index
    %swap3A_771 = tpu.vector_load %arg17[%swap3A_769, %swap3A_770] {strides = array<i32>} : memref<4x128xf32, #tpu.memory_space<vmem>>, vector<1x16xf32>,
    %swap3A_772 = vector.shape_cast %swap3A_771 : vector<1x16xf32> to vector<16xf32>
    %swap3A_773 = vector.shape_cast %add3A_767 : vector<16xf32> to vector<1x16xf32>
    tpu.vector_store %arg17[%swap3A_769, %swap3A_770], %swap3A_773 {strides = array<i32>} : memref<4x128xf32, #tpu.memory_space<vmem>>, vector<1x16xf32>,
    %get3A_774 = arith.constant 3 : i32
    %get3A_775 = arith.index_cast %get3A_774 : i32 to index
    %get3A_776 = arith.constant 16 : index
    %get3A_777 = tpu.vector_load %arg15[%get3A_775, %get3A_776] {strides = array<i32>} : memref<4x128xf32, #tpu.memory_space<vmem>>, vector<1x16xf32>,
    %get3A_778 = vector.shape_cast %get3A_777 : vector<1x16xf32> to vector<16xf32>
    %get3A_779 = arith.constant 3 : i32
    %get3A_780 = arith.index_cast %get3A_779 : i32 to index
    %get3A_781 = arith.constant 16 : index
    %get3A_782 = tpu.vector_load %arg16[%get3A_780, %get3A_781] {strides = array<i32>} : memref<4x128xf32, #tpu.memory_space<vmem>>, vector<1x16xf32>,
    %get3A_783 = vector.shape_cast %get3A_782 : vector<1x16xf32> to vector<16xf32>
    %add3A_784 = arith.addf %get3A_778, %get3A_783 : vector<16xf32>
    %add3A_785 = arith.addf %add3A_784, %get3A_324 : vector<16xf32>
    %swap3A_786 = arith.constant 3 : i32
    %swap3A_787 = arith.index_cast %swap3A_786 : i32 to index
    %swap3A_788 = arith.constant 16 : index
    %swap3A_789 = tpu.vector_load %arg17[%swap3A_787, %swap3A_788] {strides = array<i32>} : memref<4x128xf32, #tpu.memory_space<vmem>>, vector<1x16xf32>,
    %swap3A_790 = vector.shape_cast %swap3A_789 : vector<1x16xf32> to vector<16xf32>
    %swap3A_791 = vector.shape_cast %add3A_785 : vector<16xf32> to vector<1x16xf32>
    tpu.vector_store %arg17[%swap3A_787, %swap3A_788], %swap3A_791 {strides = array<i32>} : memref<4x128xf32, #tpu.memory_space<vmem>>, vector<1x16xf32>,
    %get3A_792 = arith.constant 3 : i32
    %get3A_793 = arith.index_cast %get3A_792 : i32 to index
    %get3A_794 = arith.constant 32 : index
    %get3A_795 = tpu.vector_load %arg15[%get3A_793, %get3A_794] {strides = array<i32>} : memref<4x128xf32, #tpu.memory_space<vmem>>, vector<1x16xf32>,
    %get3A_796 = vector.shape_cast %get3A_795 : vector<1x16xf32> to vector<16xf32>
    %get3A_797 = arith.constant 3 : i32
    %get3A_798 = arith.index_cast %get3A_797 : i32 to index
    %get3A_799 = arith.constant 32 : index
    %get3A_800 = tpu.vector_load %arg16[%get3A_798, %get3A_799] {strides = array<i32>} : memref<4x128xf32, #tpu.memory_space<vmem>>, vector<1x16xf32>,
    %get3A_801 = vector.shape_cast %get3A_800 : vector<1x16xf32> to vector<16xf32>
    %add3A_802 = arith.addf %get3A_796, %get3A_801 : vector<16xf32>
    %add3A_803 = arith.addf %add3A_802, %get3A_324 : vector<16xf32>
    %swap3A_804 = arith.constant 3 : i32
    %swap3A_805 = arith.index_cast %swap3A_804 : i32 to index
    %swap3A_806 = arith.constant 32 : index
    %swap3A_807 = tpu.vector_load %arg17[%swap3A_805, %swap3A_806] {strides = array<i32>} : memref<4x128xf32, #tpu.memory_space<vmem>>, vector<1x16xf32>,
    %swap3A_808 = vector.shape_cast %swap3A_807 : vector<1x16xf32> to vector<16xf32>
    %swap3A_809 = vector.shape_cast %add3A_803 : vector<16xf32> to vector<1x16xf32>
    tpu.vector_store %arg17[%swap3A_805, %swap3A_806], %swap3A_809 {strides = array<i32>} : memref<4x128xf32, #tpu.memory_space<vmem>>, vector<1x16xf32>,
    %get3A_810 = arith.constant 3 : i32
    %get3A_811 = arith.index_cast %get3A_810 : i32 to index
    %get3A_812 = arith.constant 48 : index
    %get3A_813 = tpu.vector_load %arg15[%get3A_811, %get3A_812] {strides = array<i32>} : memref<4x128xf32, #tpu.memory_space<vmem>>, vector<1x16xf32>,
    %get3A_814 = vector.shape_cast %get3A_813 : vector<1x16xf32> to vector<16xf32>
    %get3A_815 = arith.constant 3 : i32
    %get3A_816 = arith.index_cast %get3A_815 : i32 to index
    %get3A_817 = arith.constant 48 : index
    %get3A_818 = tpu.vector_load %arg16[%get3A_816, %get3A_817] {strides = array<i32>} : memref<4x128xf32, #tpu.memory_space<vmem>>, vector<1x16xf32>,
    %get3A_819 = vector.shape_cast %get3A_818 : vector<1x16xf32> to vector<16xf32>
    %add3A_820 = arith.addf %get3A_814, %get3A_819 : vector<16xf32>
    %add3A_821 = arith.addf %add3A_820, %get3A_324 : vector<16xf32>
    %swap3A_822 = arith.constant 3 : i32
    %swap3A_823 = arith.index_cast %swap3A_822 : i32 to index
    %swap3A_824 = arith.constant 48 : index
    %swap3A_825 = tpu.vector_load %arg17[%swap3A_823, %swap3A_824] {strides = array<i32>} : memref<4x128xf32, #tpu.memory_space<vmem>>, vector<1x16xf32>,
    %swap3A_826 = vector.shape_cast %swap3A_825 : vector<1x16xf32> to vector<16xf32>
    %swap3A_827 = vector.shape_cast %add3A_821 : vector<16xf32> to vector<1x16xf32>
    tpu.vector_store %arg17[%swap3A_823, %swap3A_824], %swap3A_827 {strides = array<i32>} : memref<4x128xf32, #tpu.memory_space<vmem>>, vector<1x16xf32>,
    %get3A_828 = arith.constant 3 : i32
    %get3A_829 = arith.index_cast %get3A_828 : i32 to index
    %get3A_830 = arith.constant 64 : index
    %get3A_831 = tpu.vector_load %arg15[%get3A_829, %get3A_830] {strides = array<i32>} : memref<4x128xf32, #tpu.memory_space<vmem>>, vector<1x16xf32>,
    %get3A_832 = vector.shape_cast %get3A_831 : vector<1x16xf32> to vector<16xf32>
    %get3A_833 = arith.constant 3 : i32
    %get3A_834 = arith.index_cast %get3A_833 : i32 to index
    %get3A_835 = arith.constant 64 : index
    %get3A_836 = tpu.vector_load %arg16[%get3A_834, %get3A_835] {strides = array<i32>} : memref<4x128xf32, #tpu.memory_space<vmem>>, vector<1x16xf32>,
    %get3A_837 = vector.shape_cast %get3A_836 : vector<1x16xf32> to vector<16xf32>
    %add3A_838 = arith.addf %get3A_832, %get3A_837 : vector<16xf32>
    %add3A_839 = arith.addf %add3A_838, %get3A_324 : vector<16xf32>
    %swap3A_840 = arith.constant 3 : i32
    %swap3A_841 = arith.index_cast %swap3A_840 : i32 to index
    %swap3A_842 = arith.constant 64 : index
    %swap3A_843 = tpu.vector_load %arg17[%swap3A_841, %swap3A_842] {strides = array<i32>} : memref<4x128xf32, #tpu.memory_space<vmem>>, vector<1x16xf32>,
    %swap3A_844 = vector.shape_cast %swap3A_843 : vector<1x16xf32> to vector<16xf32>
    %swap3A_845 = vector.shape_cast %add3A_839 : vector<16xf32> to vector<1x16xf32>
    tpu.vector_store %arg17[%swap3A_841, %swap3A_842], %swap3A_845 {strides = array<i32>} : memref<4x128xf32, #tpu.memory_space<vmem>>, vector<1x16xf32>,
    %get3A_846 = arith.constant 3 : i32
    %get3A_847 = arith.index_cast %get3A_846 : i32 to index
    %get3A_848 = arith.constant 80 : index
    %get3A_849 = tpu.vector_load %arg15[%get3A_847, %get3A_848] {strides = array<i32>} : memref<4x128xf32, #tpu.memory_space<vmem>>, vector<1x16xf32>,
    %get3A_850 = vector.shape_cast %get3A_849 : vector<1x16xf32> to vector<16xf32>
    %get3A_851 = arith.constant 3 : i32
    %get3A_852 = arith.index_cast %get3A_851 : i32 to index
    %get3A_853 = arith.constant 80 : index
    %get3A_854 = tpu.vector_load %arg16[%get3A_852, %get3A_853] {strides = array<i32>} : memref<4x128xf32, #tpu.memory_space<vmem>>, vector<1x16xf32>,
    %get3A_855 = vector.shape_cast %get3A_854 : vector<1x16xf32> to vector<16xf32>
    %add3A_856 = arith.addf %get3A_850, %get3A_855 : vector<16xf32>
    %add3A_857 = arith.addf %add3A_856, %get3A_324 : vector<16xf32>
    %swap3A_858 = arith.constant 3 : i32
    %swap3A_859 = arith.index_cast %swap3A_858 : i32 to index
    %swap3A_860 = arith.constant 80 : index
    %swap3A_861 = tpu.vector_load %arg17[%swap3A_859, %swap3A_860] {strides = array<i32>} : memref<4x128xf32, #tpu.memory_space<vmem>>, vector<1x16xf32>,
    %swap3A_862 = vector.shape_cast %swap3A_861 : vector<1x16xf32> to vector<16xf32>
    %swap3A_863 = vector.shape_cast %add3A_857 : vector<16xf32> to vector<1x16xf32>
    tpu.vector_store %arg17[%swap3A_859, %swap3A_860], %swap3A_863 {strides = array<i32>} : memref<4x128xf32, #tpu.memory_space<vmem>>, vector<1x16xf32>,
    %get3A_864 = arith.constant 3 : i32
    %get3A_865 = arith.index_cast %get3A_864 : i32 to index
    %get3A_866 = arith.constant 96 : index
    %get3A_867 = tpu.vector_load %arg15[%get3A_865, %get3A_866] {strides = array<i32>} : memref<4x128xf32, #tpu.memory_space<vmem>>, vector<1x16xf32>,
    %get3A_868 = vector.shape_cast %get3A_867 : vector<1x16xf32> to vector<16xf32>
    %get3A_869 = arith.constant 3 : i32
    %get3A_870 = arith.index_cast %get3A_869 : i32 to index
    %get3A_871 = arith.constant 96 : index
    %get3A_872 = tpu.vector_load %arg16[%get3A_870, %get3A_871] {strides = array<i32>} : memref<4x128xf32, #tpu.memory_space<vmem>>, vector<1x16xf32>,
    %get3A_873 = vector.shape_cast %get3A_872 : vector<1x16xf32> to vector<16xf32>
    %add3A_874 = arith.addf %get3A_868, %get3A_873 : vector<16xf32>
    %add3A_875 = arith.addf %add3A_874, %get3A_324 : vector<16xf32>
    %swap3A_876 = arith.constant 3 : i32
    %swap3A_877 = arith.index_cast %swap3A_876 : i32 to index
    %swap3A_878 = arith.constant 96 : index
    %swap3A_879 = tpu.vector_load %arg17[%swap3A_877, %swap3A_878] {strides = array<i32>} : memref<4x128xf32, #tpu.memory_space<vmem>>, vector<1x16xf32>,
    %swap3A_880 = vector.shape_cast %swap3A_879 : vector<1x16xf32> to vector<16xf32>
    %swap3A_881 = vector.shape_cast %add3A_875 : vector<16xf32> to vector<1x16xf32>
    tpu.vector_store %arg17[%swap3A_877, %swap3A_878], %swap3A_881 {strides = array<i32>} : memref<4x128xf32, #tpu.memory_space<vmem>>, vector<1x16xf32>,
    %get3A_882 = arith.constant 3 : i32
    %get3A_883 = arith.index_cast %get3A_882 : i32 to index
    %get3A_884 = arith.constant 112 : index
    %get3A_885 = tpu.vector_load %arg15[%get3A_883, %get3A_884] {strides = array<i32>} : memref<4x128xf32, #tpu.memory_space<vmem>>, vector<1x16xf32>,
    %get3A_886 = vector.shape_cast %get3A_885 : vector<1x16xf32> to vector<16xf32>
    %get3A_887 = arith.constant 3 : i32
    %get3A_888 = arith.index_cast %get3A_887 : i32 to index
    %get3A_889 = arith.constant 112 : index
    %get3A_890 = tpu.vector_load %arg16[%get3A_888, %get3A_889] {strides = array<i32>} : memref<4x128xf32, #tpu.memory_space<vmem>>, vector<1x16xf32>,
    %get3A_891 = vector.shape_cast %get3A_890 : vector<1x16xf32> to vector<16xf32>
    %add3A_892 = arith.addf %get3A_886, %get3A_891 : vector<16xf32>
    %add3A_893 = arith.addf %add3A_892, %get3A_324 : vector<16xf32>
    %swap3A_894 = arith.constant 3 : i32
    %swap3A_895 = arith.index_cast %swap3A_894 : i32 to index
    %swap3A_896 = arith.constant 112 : index
    %swap3A_897 = tpu.vector_load %arg17[%swap3A_895, %swap3A_896] {strides = array<i32>} : memref<4x128xf32, #tpu.memory_space<vmem>>, vector<1x16xf32>,
    %swap3A_898 = vector.shape_cast %swap3A_897 : vector<1x16xf32> to vector<16xf32>
    %swap3A_899 = vector.shape_cast %add3A_893 : vector<16xf32> to vector<1x16xf32>
    tpu.vector_store %arg17[%swap3A_895, %swap3A_896], %swap3A_899 {strides = array<i32>} : memref<4x128xf32, #tpu.memory_space<vmem>>, vector<1x16xf32>,
    "tpu.region"() ({
      %run_scoped3A = tpu.sem_alloc : memref<!tpu.dma_semaphore, #tpu.memory_space<semaphore_mem>>
      %dma_start3A_900 = arith.constant 0 : i32
      %dma_start3A_901 = tpu.memref_slice %arg11[%mul3A_4, %dma_start3A_900] : memref<128x128xf32, #tpu.memory_space<hbm>> -> memref<4x128xf32, #tpu.memory_space<hbm>>
      %dma_start3A_902 = arith.constant 0 : i32
      %dma_start3A_903 = tpu.memref_slice %arg11[%mul3A_4, %dma_start3A_902] : memref<128x128xf32, #tpu.memory_space<hbm>> -> memref<4x128xf32, #tpu.memory_space<hbm>>
      tpu.enqueue_dma source(%arg17 : memref<4x128xf32, #tpu.memory_space<vmem>>) target(%dma_start3A_903 : memref<4x128xf32, #tpu.memory_space<hbm>>) target_semaphore(%run_scoped3A : memref<!tpu.dma_semaphore, #tpu.memory_space<semaphore_mem>>)
      %dma_wait3A_904 = arith.constant 0 : i32
      %dma_wait3A_905 = tpu.memref_slice %arg11[%mul3A_4, %dma_wait3A_904] : memref<128x128xf32, #tpu.memory_space<hbm>> -> memref<4x128xf32, #tpu.memory_space<hbm>>
      %dma_wait3A_906 = arith.constant 0 : i32
      %dma_wait3A_907 = tpu.memref_slice %arg11[%mul3A_4, %dma_wait3A_906] : memref<128x128xf32, #tpu.memory_space<hbm>> -> memref<4x128xf32, #tpu.memory_space<hbm>>
      tpu.wait_dma2 semaphore(%run_scoped3A : memref<!tpu.dma_semaphore, #tpu.memory_space<semaphore_mem>>) src(%arg17 : memref<4x128xf32, #tpu.memory_space<vmem>>) dst(%dma_wait3A_907 : memref<4x128xf32, #tpu.memory_space<hbm>>)
      tpu.yield
    }) : () -> ()
    return
  }
}

module attributes {stable_mosaic.version = 14 : i64} {
  func.func @tc_body(%arg0: i32, %arg1: memref<2048x128xf32, #tpu.memory_space<vmem>>, %arg2: memref<2048x128xf32, #tpu.memory_space<vmem>>, %arg3: memref<2048x1xi8, #tpu.memory_space<vmem>>, %arg4: memref<2048x1xi8, #tpu.memory_space<vmem>>, %arg5: memref<2048x1xi8, #tpu.memory_space<vmem>>, %arg6: memref<2048x18xbf16, #tpu.memory_space<vmem>>, %arg7: memref<2048x1xbf16, #tpu.memory_space<vmem>>, %arg8: memref<2x33xf32, #tpu.memory_space<vmem>>, %arg9: memref<7x33xf32, #tpu.memory_space<vmem>>, %arg10: memref<21x33xf32, #tpu.memory_space<vmem>>, %arg11: memref<1024x416xbf16, #tpu.memory_space<vmem>>, %arg12: memref<1x1024xf32, #tpu.memory_space<vmem>>, %arg13: memref<512x1024xbf16, #tpu.memory_space<vmem>>, %arg14: memref<1x512xf32, #tpu.memory_space<vmem>>, %arg15: memref<1x512xf32, #tpu.memory_space<vmem>>, %arg16: memref<64x18xf32, #tpu.memory_space<vmem>>, %arg17: memref<1x64xf32, #tpu.memory_space<vmem>>, %arg18: memref<1x18xf32, #tpu.memory_space<vmem>>, %arg19: memref<2048x1xf32, #tpu.memory_space<vmem>>) attributes {dimension_semantics = [#tpu.dimension_semantics<arbitrary>], iteration_bounds = array<i64: 8>, scalar_prefetch = 0 : i64, scratch_operands = 0 : i64, tpu.core_type = #tpu.core_type<tc>, window_params = [{transform_indices = @transform_0, window_bounds = array<i64: 2048, 128>}, {transform_indices = @transform_1, window_bounds = array<i64: 2048, 128>}, {transform_indices = @transform_2, window_bounds = array<i64: 2048, 1>}, {transform_indices = @transform_3, window_bounds = array<i64: 2048, 1>}, {transform_indices = @transform_4, window_bounds = array<i64: 2048, 1>}, {transform_indices = @transform_5, window_bounds = array<i64: 2048, 18>}, {transform_indices = @transform_6, window_bounds = array<i64: 2048, 1>}, {pipeline_mode = #tpu.pipeline_mode<synchronous>, transform_indices = @transform_7, window_bounds = array<i64: 2, 33>}, {pipeline_mode = #tpu.pipeline_mode<synchronous>, transform_indices = @transform_8, window_bounds = array<i64: 7, 33>}, {pipeline_mode = #tpu.pipeline_mode<synchronous>, transform_indices = @transform_9, window_bounds = array<i64: 21, 33>}, {pipeline_mode = #tpu.pipeline_mode<synchronous>, transform_indices = @transform_10, window_bounds = array<i64: 1024, 416>}, {pipeline_mode = #tpu.pipeline_mode<synchronous>, transform_indices = @transform_11, window_bounds = array<i64: 1, 1024>}, {pipeline_mode = #tpu.pipeline_mode<synchronous>, transform_indices = @transform_12, window_bounds = array<i64: 512, 1024>}, {pipeline_mode = #tpu.pipeline_mode<synchronous>, transform_indices = @transform_13, window_bounds = array<i64: 1, 512>}, {pipeline_mode = #tpu.pipeline_mode<synchronous>, transform_indices = @transform_14, window_bounds = array<i64: 1, 512>}, {pipeline_mode = #tpu.pipeline_mode<synchronous>, transform_indices = @transform_15, window_bounds = array<i64: 64, 18>}, {pipeline_mode = #tpu.pipeline_mode<synchronous>, transform_indices = @transform_16, window_bounds = array<i64: 1, 64>}, {pipeline_mode = #tpu.pipeline_mode<synchronous>, transform_indices = @transform_17, window_bounds = array<i64: 1, 18>}, {transform_indices = @transform_18, window_bounds = array<i64: 2048, 1>}]} {
    %get3A = arith.constant 0 : index
    %get3A_0 = arith.constant 0 : index
    %get3A_1 = vector.load %arg6[%get3A, %get3A_0] : memref<2048x18xbf16, #tpu.memory_space<vmem>>, vector<2048x18xbf16>
    %convert_element_type3A = arith.extf %get3A_1 : vector<2048x18xbf16> to vector<2048x18xf32>
    %get3A_2 = arith.constant 0 : index
    %get3A_3 = arith.constant 0 : index
    %get3A_4 = vector.load %arg3[%get3A_2, %get3A_3] : memref<2048x1xi8, #tpu.memory_space<vmem>>, vector<2048x1xi8>
    %convert_element_type3A_5 = arith.extsi %get3A_4 : vector<2048x1xi8> to vector<2048x1xi32>
    %iota3A = tpu.iota {dimensions = array<i32: 1>} : vector<2048x2xi32>
    %eq3A = vector.broadcast %convert_element_type3A_5 : vector<2048x1xi32> to vector<2048x2xi32>
    %eq3A_6 = arith.cmpi eq, %eq3A, %iota3A : vector<2048x2xi32>
    %convert_element_type3A_7 = arith.extui %eq3A_6 : vector<2048x2xi1> to vector<2048x2xi32>
    %convert_element_type3A_8 = arith.sitofp %convert_element_type3A_7 : vector<2048x2xi32> to vector<2048x2xf32>
    %get3A_9 = arith.constant 0 : index
    %get3A_10 = arith.constant 0 : index
    %get3A_11 = vector.load %arg8[%get3A_9, %get3A_10] : memref<2x33xf32, #tpu.memory_space<vmem>>, vector<2x33xf32>
    %dot_general3A = arith.constant dense<0.000000e+00> : vector<2048x33xf32>
    %dot_general3A_12 = tpu.matmul %convert_element_type3A_8, %get3A_11, %dot_general3A {dimension_numbers = #tpu.dot_dimension_numbers<[1], [0], [0], [1], [0, 0, 1, 1], [], []>, transpose_lhs_hint = false} : vector<2048x2xf32>, vector<2x33xf32>, vector<2048x33xf32> -> vector<2048x33xf32>
    %slice3A = vector.extract_strided_slice %dot_general3A_12 {offsets = [0, 0], sizes = [2048, 32], strides = [1, 1]} : vector<2048x33xf32> to vector<2048x32xf32>
    %slice3A_13 = vector.extract_strided_slice %dot_general3A_12 {offsets = [0, 32], sizes = [2048, 1], strides = [1, 1]} : vector<2048x33xf32> to vector<2048x1xf32>
    %get3A_14 = arith.constant 0 : index
    %get3A_15 = arith.constant 0 : index
    %get3A_16 = vector.load %arg4[%get3A_14, %get3A_15] : memref<2048x1xi8, #tpu.memory_space<vmem>>, vector<2048x1xi8>
    %convert_element_type3A_17 = arith.extsi %get3A_16 : vector<2048x1xi8> to vector<2048x1xi32>
    %iota3A_18 = tpu.iota {dimensions = array<i32: 1>} : vector<2048x7xi32>
    %eq3A_19 = vector.broadcast %convert_element_type3A_17 : vector<2048x1xi32> to vector<2048x7xi32>
    %eq3A_20 = arith.cmpi eq, %eq3A_19, %iota3A_18 : vector<2048x7xi32>
    %convert_element_type3A_21 = arith.extui %eq3A_20 : vector<2048x7xi1> to vector<2048x7xi32>
    %convert_element_type3A_22 = arith.sitofp %convert_element_type3A_21 : vector<2048x7xi32> to vector<2048x7xf32>
    %get3A_23 = arith.constant 0 : index
    %get3A_24 = arith.constant 0 : index
    %get3A_25 = vector.load %arg9[%get3A_23, %get3A_24] : memref<7x33xf32, #tpu.memory_space<vmem>>, vector<7x33xf32>
    %dot_general3A_26 = arith.constant dense<0.000000e+00> : vector<2048x33xf32>
    %dot_general3A_27 = tpu.matmul %convert_element_type3A_22, %get3A_25, %dot_general3A_26 {dimension_numbers = #tpu.dot_dimension_numbers<[1], [0], [0], [1], [0, 0, 1, 1], [], []>, transpose_lhs_hint = false} : vector<2048x7xf32>, vector<7x33xf32>, vector<2048x33xf32> -> vector<2048x33xf32>
    %slice3A_28 = vector.extract_strided_slice %dot_general3A_27 {offsets = [0, 0], sizes = [2048, 32], strides = [1, 1]} : vector<2048x33xf32> to vector<2048x32xf32>
    %slice3A_29 = vector.extract_strided_slice %dot_general3A_27 {offsets = [0, 32], sizes = [2048, 1], strides = [1, 1]} : vector<2048x33xf32> to vector<2048x1xf32>
    %get3A_30 = arith.constant 0 : index
    %get3A_31 = arith.constant 0 : index
    %get3A_32 = vector.load %arg5[%get3A_30, %get3A_31] : memref<2048x1xi8, #tpu.memory_space<vmem>>, vector<2048x1xi8>
    %convert_element_type3A_33 = arith.extsi %get3A_32 : vector<2048x1xi8> to vector<2048x1xi32>
    %iota3A_34 = tpu.iota {dimensions = array<i32: 1>} : vector<2048x21xi32>
    %eq3A_35 = vector.broadcast %convert_element_type3A_33 : vector<2048x1xi32> to vector<2048x21xi32>
    %eq3A_36 = arith.cmpi eq, %eq3A_35, %iota3A_34 : vector<2048x21xi32>
    %convert_element_type3A_37 = arith.extui %eq3A_36 : vector<2048x21xi1> to vector<2048x21xi32>
    %convert_element_type3A_38 = arith.sitofp %convert_element_type3A_37 : vector<2048x21xi32> to vector<2048x21xf32>
    %get3A_39 = arith.constant 0 : index
    %get3A_40 = arith.constant 0 : index
    %get3A_41 = vector.load %arg10[%get3A_39, %get3A_40] : memref<21x33xf32, #tpu.memory_space<vmem>>, vector<21x33xf32>
    %dot_general3A_42 = arith.constant dense<0.000000e+00> : vector<2048x33xf32>
    %dot_general3A_43 = tpu.matmul %convert_element_type3A_38, %get3A_41, %dot_general3A_42 {dimension_numbers = #tpu.dot_dimension_numbers<[1], [0], [0], [1], [0, 0, 1, 1], [], []>, transpose_lhs_hint = false} : vector<2048x21xf32>, vector<21x33xf32>, vector<2048x33xf32> -> vector<2048x33xf32>
    %slice3A_44 = vector.extract_strided_slice %dot_general3A_43 {offsets = [0, 0], sizes = [2048, 32], strides = [1, 1]} : vector<2048x33xf32> to vector<2048x32xf32>
    %slice3A_45 = vector.extract_strided_slice %dot_general3A_43 {offsets = [0, 32], sizes = [2048, 1], strides = [1, 1]} : vector<2048x33xf32> to vector<2048x1xf32>
    %get3A_46 = arith.constant 0 : index
    %get3A_47 = arith.constant 0 : index
    %get3A_48 = vector.load %arg16[%get3A_46, %get3A_47] : memref<64x18xf32, #tpu.memory_space<vmem>>, vector<64x18xf32>
    %dot_general3A_49 = arith.constant dense<0.000000e+00> : vector<2048x64xf32>
    %dot_general3A_50 = tpu.matmul %convert_element_type3A, %get3A_48, %dot_general3A_49 {dimension_numbers = #tpu.dot_dimension_numbers<[1], [1], [0], [0], [0, 0, 1, 0], [], []>, transpose_lhs_hint = false} : vector<2048x18xf32>, vector<64x18xf32>, vector<2048x64xf32> -> vector<2048x64xf32>
    %get3A_51 = arith.constant 0 : index
    %get3A_52 = arith.constant 0 : index
    %get3A_53 = vector.load %arg17[%get3A_51, %get3A_52] : memref<1x64xf32, #tpu.memory_space<vmem>>, vector<1x64xf32>
    %add3A = vector.broadcast %get3A_53 : vector<1x64xf32> to vector<2048x64xf32>
    %add3A_54 = arith.addf %dot_general3A_50, %add3A : vector<2048x64xf32>
    %concatenate3A = tpu.concatenate %slice3A, %slice3A_28, %slice3A_44, %add3A_54 in 1 : vector<2048x32xf32>, vector<2048x32xf32>, vector<2048x32xf32>, vector<2048x64xf32> -> vector<2048x160xf32>
    %get3A_55 = arith.constant 0 : index
    %get3A_56 = arith.constant 0 : index
    %get3A_57 = vector.load %arg1[%get3A_55, %get3A_56] : memref<2048x128xf32, #tpu.memory_space<vmem>>, vector<2048x128xf32>
    %get3A_58 = arith.constant 0 : index
    %get3A_59 = arith.constant 0 : index
    %get3A_60 = vector.load %arg11[%get3A_58, %get3A_59] : memref<1024x416xbf16, #tpu.memory_space<vmem>>, vector<1024x128xbf16>
    %convert_element_type3A_61 = arith.truncf %get3A_57 : vector<2048x128xf32> to vector<2048x128xbf16>
    %dot_general3A_62 = arith.constant dense<0.000000e+00> : vector<2048x1024xf32>
    %dot_general3A_63 = tpu.matmul %convert_element_type3A_61, %get3A_60, %dot_general3A_62 {dimension_numbers = #tpu.dot_dimension_numbers<[1], [1], [0], [0], [0, 0, 1, 0], [], []>, transpose_lhs_hint = false} : vector<2048x128xbf16>, vector<1024x128xbf16>, vector<2048x1024xf32> -> vector<2048x1024xf32>
    %get3A_64 = arith.constant 0 : index
    %get3A_65 = arith.constant 0 : index
    %get3A_66 = vector.load %arg2[%get3A_64, %get3A_65] : memref<2048x128xf32, #tpu.memory_space<vmem>>, vector<2048x128xf32>
    %get3A_67 = arith.constant 0 : index
    %get3A_68 = arith.constant 128 : index
    %get3A_69 = vector.load %arg11[%get3A_67, %get3A_68] : memref<1024x416xbf16, #tpu.memory_space<vmem>>, vector<1024x128xbf16>
    %convert_element_type3A_70 = arith.truncf %get3A_66 : vector<2048x128xf32> to vector<2048x128xbf16>
    %dot_general3A_71 = arith.constant dense<0.000000e+00> : vector<2048x1024xf32>
    %dot_general3A_72 = tpu.matmul %convert_element_type3A_70, %get3A_69, %dot_general3A_71 {dimension_numbers = #tpu.dot_dimension_numbers<[1], [1], [0], [0], [0, 0, 1, 0], [], []>, transpose_lhs_hint = false} : vector<2048x128xbf16>, vector<1024x128xbf16>, vector<2048x1024xf32> -> vector<2048x1024xf32>
    %add3A_73 = arith.addf %dot_general3A_63, %dot_general3A_72 : vector<2048x1024xf32>
    %get3A_74 = arith.constant 0 : index
    %get3A_75 = arith.constant 256 : index
    %get3A_76 = vector.load %arg11[%get3A_74, %get3A_75] : memref<1024x416xbf16, #tpu.memory_space<vmem>>, vector<1024x160xbf16>
    %convert_element_type3A_77 = arith.truncf %concatenate3A : vector<2048x160xf32> to vector<2048x160xbf16>
    %dot_general3A_78 = arith.constant dense<0.000000e+00> : vector<2048x1024xf32>
    %dot_general3A_79 = tpu.matmul %convert_element_type3A_77, %get3A_76, %dot_general3A_78 {dimension_numbers = #tpu.dot_dimension_numbers<[1], [1], [0], [0], [0, 0, 1, 0], [], []>, transpose_lhs_hint = false} : vector<2048x160xbf16>, vector<1024x160xbf16>, vector<2048x1024xf32> -> vector<2048x1024xf32>
    %add3A_80 = arith.addf %add3A_73, %dot_general3A_79 : vector<2048x1024xf32>
    %get3A_81 = arith.constant 0 : index
    %get3A_82 = arith.constant 0 : index
    %get3A_83 = vector.load %arg12[%get3A_81, %get3A_82] : memref<1x1024xf32, #tpu.memory_space<vmem>>, vector<1x1024xf32>
    %add3A_84 = vector.broadcast %get3A_83 : vector<1x1024xf32> to vector<2048x1024xf32>
    %add3A_85 = arith.addf %add3A_80, %add3A_84 : vector<2048x1024xf32>
    %max3A = arith.constant 0.000000e+00 : f32
    %max3A_86 = vector.broadcast %max3A : f32 to vector<2048x1024xf32>
    %max3A_87 = arith.maximumf %add3A_85, %max3A_86 : vector<2048x1024xf32>
    %get3A_88 = arith.constant 0 : index
    %get3A_89 = arith.constant 0 : index
    %get3A_90 = vector.load %arg13[%get3A_88, %get3A_89] : memref<512x1024xbf16, #tpu.memory_space<vmem>>, vector<512x1024xbf16>
    %convert_element_type3A_91 = arith.truncf %max3A_87 : vector<2048x1024xf32> to vector<2048x1024xbf16>
    %dot_general3A_92 = arith.constant dense<0.000000e+00> : vector<2048x512xf32>
    %dot_general3A_93 = tpu.matmul %convert_element_type3A_91, %get3A_90, %dot_general3A_92 {dimension_numbers = #tpu.dot_dimension_numbers<[1], [1], [0], [0], [0, 0, 1, 0], [], []>, transpose_lhs_hint = false} : vector<2048x1024xbf16>, vector<512x1024xbf16>, vector<2048x512xf32> -> vector<2048x512xf32>
    %get3A_94 = arith.constant 0 : index
    %get3A_95 = arith.constant 0 : index
    %get3A_96 = vector.load %arg14[%get3A_94, %get3A_95] : memref<1x512xf32, #tpu.memory_space<vmem>>, vector<1x512xf32>
    %add3A_97 = vector.broadcast %get3A_96 : vector<1x512xf32> to vector<2048x512xf32>
    %add3A_98 = arith.addf %dot_general3A_93, %add3A_97 : vector<2048x512xf32>
    %max3A_99 = arith.constant 0.000000e+00 : f32
    %max3A_100 = vector.broadcast %max3A_99 : f32 to vector<2048x512xf32>
    %max3A_101 = arith.maximumf %add3A_98, %max3A_100 : vector<2048x512xf32>
    %get3A_102 = arith.constant 0 : index
    %get3A_103 = arith.constant 0 : index
    %get3A_104 = vector.load %arg15[%get3A_102, %get3A_103] : memref<1x512xf32, #tpu.memory_space<vmem>>, vector<1x512xf32>
    %dot_general3A_105 = arith.constant dense<0.000000e+00> : vector<2048x1xf32>
    %dot_general3A_106 = tpu.matmul %max3A_101, %get3A_104, %dot_general3A_105 {dimension_numbers = #tpu.dot_dimension_numbers<[1], [1], [0], [0], [0, 0, 1, 0], [], []>, transpose_lhs_hint = false} : vector<2048x512xf32>, vector<1x512xf32>, vector<2048x1xf32> -> vector<2048x1xf32>
    %get3A_107 = arith.constant 0 : index
    %get3A_108 = arith.constant 0 : index
    %get3A_109 = vector.load %arg18[%get3A_107, %get3A_108] : memref<1x18xf32, #tpu.memory_space<vmem>>, vector<1x18xf32>
    %dot_general3A_110 = arith.constant dense<0.000000e+00> : vector<2048x1xf32>
    %dot_general3A_111 = tpu.matmul %convert_element_type3A, %get3A_109, %dot_general3A_110 {dimension_numbers = #tpu.dot_dimension_numbers<[1], [1], [0], [0], [0, 0, 1, 0], [], []>, transpose_lhs_hint = false} : vector<2048x18xf32>, vector<1x18xf32>, vector<2048x1xf32> -> vector<2048x1xf32>
    %get3A_112 = arith.constant 0 : index
    %get3A_113 = arith.constant 0 : index
    %get3A_114 = vector.load %arg7[%get3A_112, %get3A_113] : memref<2048x1xbf16, #tpu.memory_space<vmem>>, vector<2048x1xbf16>
    %convert_element_type3A_115 = arith.extf %get3A_114 : vector<2048x1xbf16> to vector<2048x1xf32>
    %add3A_116 = arith.addf %convert_element_type3A_115, %dot_general3A_111 : vector<2048x1xf32>
    %add3A_117 = arith.addf %add3A_116, %slice3A_13 : vector<2048x1xf32>
    %add3A_118 = arith.addf %add3A_117, %slice3A_29 : vector<2048x1xf32>
    %add3A_119 = arith.addf %add3A_118, %slice3A_45 : vector<2048x1xf32>
    %add3A_120 = arith.addf %add3A_119, %dot_general3A_106 : vector<2048x1xf32>
    %swap3A = arith.constant 0 : index
    %swap3A_121 = arith.constant 0 : index
    %swap3A_122 = vector.load %arg19[%swap3A, %swap3A_121] : memref<2048x1xf32, #tpu.memory_space<vmem>>, vector<2048x1xf32>
    tpu.vector_store %arg19[%swap3A, %swap3A_121], %add3A_120 {strides = array<i32>} : memref<2048x1xf32, #tpu.memory_space<vmem>>, vector<2048x1xf32>,
    return
  }
  func.func @transform_0(%arg0: i32) -> (i32, i32) {
    %c0_i32 = arith.constant 0 : i32
    %c0_i32_0 = arith.constant 0 : i32
    return %arg0, %c0_i32 : i32, i32
  }
  func.func @transform_1(%arg0: i32) -> (i32, i32) {
    %c0_i32 = arith.constant 0 : i32
    %c0_i32_0 = arith.constant 0 : i32
    return %arg0, %c0_i32 : i32, i32
  }
  func.func @transform_2(%arg0: i32) -> (i32, i32) {
    %c0_i32 = arith.constant 0 : i32
    %c0_i32_0 = arith.constant 0 : i32
    return %arg0, %c0_i32 : i32, i32
  }
  func.func @transform_3(%arg0: i32) -> (i32, i32) {
    %c0_i32 = arith.constant 0 : i32
    %c0_i32_0 = arith.constant 0 : i32
    return %arg0, %c0_i32 : i32, i32
  }
  func.func @transform_4(%arg0: i32) -> (i32, i32) {
    %c0_i32 = arith.constant 0 : i32
    %c0_i32_0 = arith.constant 0 : i32
    return %arg0, %c0_i32 : i32, i32
  }
  func.func @transform_5(%arg0: i32) -> (i32, i32) {
    %c0_i32 = arith.constant 0 : i32
    %c0_i32_0 = arith.constant 0 : i32
    return %arg0, %c0_i32 : i32, i32
  }
  func.func @transform_6(%arg0: i32) -> (i32, i32) {
    %c0_i32 = arith.constant 0 : i32
    %c0_i32_0 = arith.constant 0 : i32
    return %arg0, %c0_i32 : i32, i32
  }
  func.func @transform_7(%arg0: i32) -> (i32, i32) {
    %c0_i32 = arith.constant 0 : i32
    %c0_i32_0 = arith.constant 0 : i32
    %c0_i32_1 = arith.constant 0 : i32
    return %c0_i32, %c0_i32_0 : i32, i32
  }
  func.func @transform_8(%arg0: i32) -> (i32, i32) {
    %c0_i32 = arith.constant 0 : i32
    %c0_i32_0 = arith.constant 0 : i32
    %c0_i32_1 = arith.constant 0 : i32
    return %c0_i32, %c0_i32_0 : i32, i32
  }
  func.func @transform_9(%arg0: i32) -> (i32, i32) {
    %c0_i32 = arith.constant 0 : i32
    %c0_i32_0 = arith.constant 0 : i32
    %c0_i32_1 = arith.constant 0 : i32
    return %c0_i32, %c0_i32_0 : i32, i32
  }
  func.func @transform_10(%arg0: i32) -> (i32, i32) {
    %c0_i32 = arith.constant 0 : i32
    %c0_i32_0 = arith.constant 0 : i32
    %c0_i32_1 = arith.constant 0 : i32
    return %c0_i32, %c0_i32_0 : i32, i32
  }
  func.func @transform_11(%arg0: i32) -> (i32, i32) {
    %c0_i32 = arith.constant 0 : i32
    %c0_i32_0 = arith.constant 0 : i32
    %c0_i32_1 = arith.constant 0 : i32
    return %c0_i32, %c0_i32_0 : i32, i32
  }
  func.func @transform_12(%arg0: i32) -> (i32, i32) {
    %c0_i32 = arith.constant 0 : i32
    %c0_i32_0 = arith.constant 0 : i32
    %c0_i32_1 = arith.constant 0 : i32
    return %c0_i32, %c0_i32_0 : i32, i32
  }
  func.func @transform_13(%arg0: i32) -> (i32, i32) {
    %c0_i32 = arith.constant 0 : i32
    %c0_i32_0 = arith.constant 0 : i32
    %c0_i32_1 = arith.constant 0 : i32
    return %c0_i32, %c0_i32_0 : i32, i32
  }
  func.func @transform_14(%arg0: i32) -> (i32, i32) {
    %c0_i32 = arith.constant 0 : i32
    %c0_i32_0 = arith.constant 0 : i32
    %c0_i32_1 = arith.constant 0 : i32
    return %c0_i32, %c0_i32_0 : i32, i32
  }
  func.func @transform_15(%arg0: i32) -> (i32, i32) {
    %c0_i32 = arith.constant 0 : i32
    %c0_i32_0 = arith.constant 0 : i32
    %c0_i32_1 = arith.constant 0 : i32
    return %c0_i32, %c0_i32_0 : i32, i32
  }
  func.func @transform_16(%arg0: i32) -> (i32, i32) {
    %c0_i32 = arith.constant 0 : i32
    %c0_i32_0 = arith.constant 0 : i32
    %c0_i32_1 = arith.constant 0 : i32
    return %c0_i32, %c0_i32_0 : i32, i32
  }
  func.func @transform_17(%arg0: i32) -> (i32, i32) {
    %c0_i32 = arith.constant 0 : i32
    %c0_i32_0 = arith.constant 0 : i32
    %c0_i32_1 = arith.constant 0 : i32
    return %c0_i32, %c0_i32_0 : i32, i32
  }
  func.func @transform_18(%arg0: i32) -> (i32, i32) {
    %c0_i32 = arith.constant 0 : i32
    %c0_i32_0 = arith.constant 0 : i32
    return %arg0, %c0_i32 : i32, i32
  }
}

</mosaic_0001>

<sc_bundles>
// kernel: kernel.4.cloned.1.call-start
scs
__scs_entry_jumppad:
0x0: {  	(pc) =	sbr.rel $0x88, $3  }
0x1: {  	(tag) =	ssettag $0x0;
	lr =	simm.s32 $0x1  }
0x2: {  	[smem:$0x3F87] =	sst lr;
	_ =	strace $0xD0000000  }
0x3: {  	_ = 	snop  }
0x4: {  	_ = 	snop  }
0x5: {  	_ = 	snop  }
0x6: {  	_ = 	snop  }
0x7: {  	_ = 	snop  }
__scs_overlays_trampoline_lowered:
0x8: {  	[smem:$0x3F96] =	sst s0  }
0x9: {  	[smem:$0x3F97] =	sst s1  }
0xa: {  	[smem:$0x3F98] =	sst s2  }
0xb: {  	[smem:$0x3F99] =	sst s3  }
0xc: {  	[smem:$0x3F9A] =	sst s4  }
0xd: {  	[smem:$0x3F9B] =	sst s5  }
0xe: {  	[smem:$0x3F9C] =	sst s6  }
0xf: {  	[smem:$0x3F9D] =	sst s7  }
0x10: {  	[smem:$0x3F9E] =	sst s8  }
0x11: {  	[smem:$0x3F9F] =	sst s9;
	s0 =	simm.s32 @!p0 $0x0  }
0x12: {  	s1 =	sld [smem:$0x3F85];
	s0 =	simm.s32 @p0 $0x1  }
0x13: {  	[smem:$0x3FA0] =	sst s0;
	s0 =	simm.s32 @!p1 $0x0  }
0x14: {  	s2 =	sld [smem:$0x3F84];
	s0 =	simm.s32 @p1 $0x1  }
0x15: {  	[smem:$0x3FA1] =	sst s0;
	s0 =	simm.s32 @!p2 $0x0  }
0x16: {  	s3 =	sld [smem:$0x3FDB];
	s0 =	simm.s32 @p2 $0x1  }
0x17: {  	s4 =	simm.s32 $0x1BF5;
	[smem:$0x3FA3] =	sst s0  }
0x18: {  	s0 =	sld [smem:$0x3F86];
	_ =	swait.ge [sflag:s4], $0x0  }
0x19: {  	s7 =	sld [smem:$0x3F87]  }
0x1a: {  	s8 =	sadd.s32 $0xFFFFE003, lr  }
0x1b: {  	s9 =	sadd.s32 $0xFFFFFEF7, lr;
	s5 =	simm.s32 $0xFFFFFFFF;
	p2 =	slt.u32 s8, $0xFFFFF086  }
0x1c: {  	p1 =	slt.u32 s9, $0xF7A;
	s5 =	simm.s32 @!p2 $0x0  }
0x1d: {  	s5 =	simm.s32 @p1 $0x1;
	p0 =	seq.s32 s7, s2  }
0x1e: {  	s7 =	smul.u32 @!p0 $0xF7A, s2;
	p2 =	seq.s32 @!p0 s5, $0x0  }
0x1f: {  	s9 =	smul.u32 $0xF7A, s1;
	s8 =	simm.s32 @!p0 $0x1BF5;
	p2 =	por !p2, p0  }
0x20: {  	[sflag:s8] =	ssyncset.s32 @!p0 $0xFFFFF086;
	s6 =	sadd.s32 @!p0 s3, s7;
	s7 =	simm.s32 @!p0 $0x108  }
0x21: {  	s3 =	sadd.s32 s3, s9;
	s6 =	sadd.s32 @!p0 $0x88, s6;
	s7 =	simm.s32 @p2 $0x1082  }
0x22: {  	[simem:s7], [sflag:s8] =	dma.local @!p0 [hbm:s6], $0xF7A  }
0x23: {  	s9 =	sor.u32 $0xD0000000, s2;
	s6 =	simm.s32 $0x108;
	_ =	swait.ge @!p0 [sflag:s8], $0x0  }
0x24: {  	s3 =	sadd.s32 $0x88, s3;
	s6 =	simm.s32 @!p1 $0x1082;
	[sflag:s4] =	ssyncset.s32 $0xFFFFF086  }
0x25: {  	[simem:s6], [sflag:s4] =	dma.local [hbm:s3], $0xF7A  }
0x26: {  	[smem:$0x3F87] =	sst s1;
	(tag) =	ssettag s2;
	_ =	strace s9  }
0x27: {  	s1 =	sld [smem:$0x3F97]  }
0x28: {  	s2 =	sld [smem:$0x3F98]  }
0x29: {  	s4 =	sld [smem:$0x3F9A]  }
0x2a: {  	p0 =	seq.s32 s5, $0x0;
	s5 =	sld [smem:$0x3F9B]  }
0x2b: {  	s6 =	sld [smem:$0x3F9C]  }
0x2c: {  	s7 =	sld [smem:$0x3F9D]  }
0x2d: {  	s3 =	simm.s32 $0x108;
	s8 =	sld [smem:$0x3F9E]  }
0x2e: {  	s3 =	simm.s32 @!p0 $0x1082;
	s9 =	sld [smem:$0x3F9F]  }
0x2f: {  	lr =	sadd.s32 s0, s3;
	s0 =	sld [smem:$0x3F96]  }
0x30: {  	s3 =	sld [smem:$0x3F99]  }
0x31: {  	[smem:$0x3FA2] =	sst s10  }
0x32: {  	s10 =	sld [smem:$0x3FA0];
	_ =	sdelay $0x3  }
0x33: {  	p0 =	seq.s32 s10, $0x1;
	s10 =	sld [smem:$0x3FA2];
	_ =	sdelay $0x3  }
0x34: {  	[smem:$0x3FA2] =	sst s10  }
0x35: {  	s10 =	sld [smem:$0x3FA1];
	_ =	sdelay $0x3  }
0x36: {  	p1 =	seq.s32 s10, $0x1;
	s10 =	sld [smem:$0x3FA2];
	_ =	sdelay $0x3  }
0x37: {  	[smem:$0x3FA2] =	sst s10  }
0x38: {  	s10 =	sld [smem:$0x3FA3]  }
0x39: {  	_ = 	snop;
	(pc) =	sbr.ind lr, $3  }
0x3a: {  	_ = 	snop  }
0x3b: {  	_ = 	snop  }
0x3c: {  	p2 =	seq.s32 s10, $0x1;
	s10 =	sld [smem:$0x3FA2]  }
0x3d: {  	_ =	shalt  }
0x3e: {  	_ =	shalt  }
0x3f: {  	_ =	shalt  }
0x40: {  	_ =	shalt  }
0x41: {  	_ =	shalt  }
0x42: {  	_ =	shalt  }
0x43: {  	_ =	shalt  }
0x44: {  	_ =	shalt  }
0x45: {  	_ =	shalt  }
0x46: {  	_ =	shalt  }
0x47: {  	_ =	shalt  }
0x48: {  	_ =	shalt  }
0x49: {  	_ =	shalt  }
0x4a: {  	_ =	shalt  }
0x4b: {  	_ =	shalt  }
0x4c: {  	_ =	shalt  }
0x4d: {  	_ =	shalt  }
0x4e: {  	_ =	shalt  }
0x4f: {  	_ =	shalt  }
0x50: {  	_ =	shalt  }
0x51: {  	_ =	shalt  }
0x52: {  	_ =	shalt  }
0x53: {  	_ =	shalt  }
0x54: {  	_ =	shalt  }
0x55: {  	_ =	shalt  }
0x56: {  	_ =	shalt  }
0x57: {  	_ =	shalt  }
0x58: {  	_ =	shalt  }
0x59: {  	_ =	shalt  }
0x5a: {  	_ =	shalt  }
0x5b: {  	_ =	shalt  }
0x5c: {  	_ =	shalt  }
0x5d: {  	_ =	shalt  }
0x5e: {  	_ =	shalt  }
0x5f: {  	_ =	shalt  }
0x60: {  	_ =	shalt  }
0x61: {  	_ =	shalt  }
0x62: {  	_ =	shalt  }
0x63: {  	_ =	shalt  }
0x64: {  	_ =	shalt  }
0x65: {  	_ =	shalt  }
0x66: {  	_ =	shalt  }
0x67: {  	_ =	shalt  }
0x68: {  	_ =	shalt  }
0x69: {  	_ =	shalt  }
0x6a: {  	_ =	shalt  }
0x6b: {  	_ =	shalt  }
0x6c: {  	_ =	shalt  }
0x6d: {  	_ =	shalt  }
0x6e: {  	_ =	shalt  }
0x6f: {  	_ =	shalt  }
0x70: {  	_ =	shalt  }
0x71: {  	_ =	shalt  }
0x72: {  	_ =	shalt  }
0x73: {  	_ =	shalt  }
0x74: {  	_ =	shalt  }
0x75: {  	_ =	shalt  }
0x76: {  	_ =	shalt  }
0x77: {  	_ =	shalt  }
0x78: {  	_ =	shalt  }
0x79: {  	_ =	shalt  }
0x7a: {  	_ =	shalt  }
0x7b: {  	_ =	shalt  }
0x7c: {  	_ =	shalt  }
0x7d: {  	_ =	shalt  }
0x7e: {  	_ =	shalt  }
0x7f: {  	_ =	shalt  }
0x80: {  	_ =	shalt  }
0x81: {  	_ =	shalt  }
0x82: {  	_ =	shalt  }
0x83: {  	_ =	shalt  }
0x84: {  	_ =	shalt  }
0x85: {  	_ =	shalt  }
0x86: {  	_ =	shalt  }
0x87: {  	_ =	shalt  }
.Lfunc_end0:
.L_simem_size_0:
called_computation_lowered:
.L_overlay_start_0:
0x88: {  	s2 =	sld [smem:$0x3FD9]  }
0x89: {  	s3 =	sld [smem:$0x3FFE];
	_ =	sdelay $0x1  }
0x8a: {  	s1 =	srdreg.scid  }
0x8b: {  	s0 =	sand.u32 $0x1, s1  }
0x8c: {  	s17 =	sshll.u32 s0, $0xA;
	s2 =	sadd.s32 s3, s2  }
0x8d: {  	s2 =	sadd.s32 s2, s17  }
0x8e: {  	[smem:$0x3FAE] =	sst s2  }
0x8f: {  	_ = 	snop  }
0x90: {  	s2 =	sld [smem:$0x3FC9]  }
0x91: {  	s18 =	sld [smem:$0x3FC8]  }
0x92: {  	s4 =	sld [smem:$0x3FBC]  }
0x93: {  	s5 =	sld [smem:$0x3FBB]  }
0x94: {  	s6 =	sld [smem:$0x3FD0];
	(tm) =	ssettm $0x1  }
0x95: {  	s7 =	sld [smem:$0x3FFB];
	_ =	sdelay $0x3  }
0x96: {  	_ =	strace s7  }
0x97: {  	s7 =	sld [smem:$0x3FFC];
	_ =	sdelay $0x3  }
0x98: {  	_ =	strace s7  }
0x99: {  	s7 =	sld [smem:$0x3FFD];
	_ =	sdelay $0x3  }
0x9a: {  	_ =	strace s7  }
0x9b: {  	_ =	strace $0x8FFFFFFF  }
0x9c: {  	s19 =	sld [smem:$0x3FDB];
	_ =	sdelay $0x1  }
0x9d: {  	s8 =	simm.s32 $_scs_section_size  }
0x9e: {  	s9 =	simm.s32 $_size__tile_overlayer_lowered;
	s10 =	simm.s32 $_tile_overlayer_lowered  }
0x9f: {  	s22 =	simm.s32 $0x1BFF;
	s21 =	sshll.u32 s10, $0x1;
	s7 =	sadd.s32 s8, s19  }
0xa0: {  	s11 =	simm.s32 $0x0;
	s20 =	sshll.u32 s9, $0x1;
	s9 =	sadd.s32 s21, s7  }
0xa1: {  	[timem:s11], [sflag:s22] =	dma.local [hbm:s9], s20  }
0xa2: {  	_ =	swait.ge [sflag:s22], s20  }
0xa3: {  	s8 =	ssub.s32 $0x0, s20;
	[sflag:s22] =	ssyncset.done $0x0  }
0xa4: {  	[sflag:s22] =	ssyncadd.s32 s8;
	_ =	sdelay $0x1  }
0xa5: {  	s23 =	simm.s32 $0x1B8B  }
0xa6: {  	_ =	swait.ge [sflag:s23], $0x1  }
0xa7: {  	[sflag:s23] =	ssyncset.done $0x0  }
0xa8: {  	s25 =	simm.s32 $0x1B8E;
	s24 =	sld [smem:$0x3FFE];
	[sflag:s23] =	ssyncadd.s32 $0xFFFFFFFF  }
0xa9: {  	s26 =	simm.s32 $execute0_lowered;
	[smem:$0x3FD2] =	sst s25  }
0xaa: {  	s9 =	sshll.u32 s26, $0x1;
	_ =	strace $0x80000046;
	[dreg:$0x1] =	wrdreg $0xFFFFFFFF  }
0xab: {  	s28 =	simm.s32 $_size_execute0_lowered;
	s7 =	sadd.s32 s7, s9;
	[dreg:$0x0] =	wrdreg $0x0  }
0xac: {  	s9 =	sshll.u32 s28, $0x1;
	[dreg:$0x2] =	wrdreg s7  }
0xad: {  	[dreg:$0x3] =	wrdreg s9  }
0xae: {  	[dreg:$0x4] =	wrdreg $0xC0  }
0xaf: {  	_ =	task [dreg:s11], $0x5FFFF  }
0xb0: {  	[dreg:$0x1] =	wrdreg $0xFFFFFFFF  }
0xb1: {  	[dreg:$0x0] =	wrdreg $0x60  }
0xb2: {  	[dreg:$0x2] =	wrdreg s2  }
0xb3: {  	[dreg:$0x3] =	wrdreg s18  }
0xb4: {  	[dreg:$0x4] =	wrdreg s4  }
0xb5: {  	[dreg:$0x5] =	wrdreg s5  }
0xb6: {  	[dreg:$0x6] =	wrdreg s24  }
0xb7: {  	[dreg:$0x7] =	wrdreg s6  }
0xb8: {  	[dreg:$0x8] =	wrdreg $0x9  }
0xb9: {  	_ =	task.clear_ibuf [dreg:s11], $0x9FFFF;
	_ =	strace $0x90000046  }
0xba: {  	s29 =	simm.s32 $0x9;
	_ =	strace $0x80000048  }
0xbb: {  	_ =	swait.ge [sflag:s29], $0x1  }
0xbc: {  	[sflag:s29] =	ssyncadd.s32 $0xFFFFFFFF  }
0xbd: {  	_ =	strace $0x90000048  }
0xbe: {  	_ =	sfence  }
0xbf: {  	s30 =	sld [smem:$0x0];
	_ =	sdelay $0x2  }
0xc0: {  	s31 =	sshll.u32 s1, $0xD;
	s1 =	sshrl.u32 s1, $0x2  }
0xc1: {  	s3 =	sand.u32 $0x4000, s31;
	s1 =	sadd.s32 s1, s30  }
0xc2: {  	s0 =	sor.u32 s3, s0;
	s1 =	sshll.u32 s1, $0x11  }
0xc3: {  	s0 =	sor.u32 s1, s0  }
0xc4: {  	s0 =	sadd.s32 $0x8F2B, s0  }
0xc5: {  	[sflag:s0] =	ssyncadd.remote.s32 $0x1  }
0xc6: {  	_ =	sfence.sel $0xFFFF  }
0xc7: {  	[dreg:$0x0] =	wrdreg $0xFFFFFFFF;
	(pc) =	sbr.abs _section_cstart, $3  }
0xc8: {  	[dreg:$0x1] =	wrdreg $0xFFFFFFFF  }
0xc9: {  	_ =	task.clear_ibuf [dreg:s11], $0x2FFFF;
	_ =	strace $0x9FFFFFFF  }
0xca: {  	(tm) =	ssettm $0x7FFFFFFF  }
0xcb: {  	_ =	shalt  }
tec
execute0_lowered:
.L_overlay_start_1:
0x0: {  	(tag) =	ssettag $0x1  }
0x1: {  	s0 =	rddreg [dreg:$0x0]  }
0x2: {  	s7 =	rddreg [dreg:$0x1]  }
0x3: {  	s1 =	rddreg [dreg:$0x2]  }
0x4: {  	s2 =	rddreg [dreg:$0x3]  }
0x5: {  	s8 =	rddreg [dreg:$0x4]  }
0x6: {  	s9 =	rddreg [dreg:$0x5]  }
0x7: {  	s4 =	simm.s32 $0x0;
	s5 =	srdreg.scid;
	s3 =	stileid.u32  }
0x8: {  	s14 =	simm.s32 $0x4400;
	s15 =	simm.s32 $0x100;
	s16 =	simm.s32 $0x8400  }
0x9: {  	s17 =	simm.s32 $0x180;
	s18 =	simm.s32 $0xC400;
	s19 =	simm.s32 $0x1  }
0xa: {  	s20 =	simm.s32 $0x280;
	s21 =	simm.s32 $0x300;
	s28 =	simm.s32 $0x10600  }
0xb: {  	s29 =	simm.s32 $0x10680;
	s30 =	simm.s32 $0x10700;
	s31 =	simm.s32 $0x10780  }
0xc: {  	[smem:$0x7FF] =	sst s4;
	s10 =	sand.u32 $0x1, s5;
	s6 =	sshll.u32 s3, $0x1  }
0xd: {  	s5 =	sadd.s32 $0x1C00, s8;
	s12 =	sadd.s32 $0x8000, s8;
	_ =	strace $0x80000047  }
0xe: {  	s11 =	sor.u32 s10, s6;
	s6 =	sadd.s32 $0x4E00, s8;
	[dreg:$0x7] =	wrdreg s12  }
0xf: {  	s23 =	ssub.s32 $0x2, s10;
	s12 =	simm.s32 $0x80;
	s13 =	sshll.u32 s11, $0x6  }
0x10: {  	s11 =	sshll.u32 s11, $0xD;
	s10 =	sshrl.u32 s23, $0x1;
	s0 =	sadd.s32 s0, s13  }
0x11: {  	s8 =	sadd.s32 s11, s8;
	s22 =	sadd.s32 s7, s13;
	s26 =	ssub.s32 s23, s10  }
0x12: {  	s7 =	sadd.s32 s9, s13;
	s9 =	simm.s32 $0x2;
	s10 =	simm.s32 $0x200  }
0x13: {  	s11 =	simm.s32 $0x10A00;
	s13 =	simm.s32 $0x400;
	[dreg:$0x8] =	wrdreg s0  }
0x14: {  	s23 =	simm.s32 $0x10400;
	[dreg:$0x9] =	wrdreg s22;
	s24 =	sadd.s32 $0x8200, s8  }
0x15: {  	s25 =	sadd.s32 $0x48200, s8;
	s8 =	smax.u32 s26, $0x1;
	s22 =	simm.s32 $0x380  }
0x16: {  	s26 =	simm.s32 $0x10580;
	s0 =	simm.s32 $0x10800;
	[dreg:$0xa] =	wrdreg s24  }
0x17: {  	[dreg:$0xb] =	wrdreg s25;
	s24 =	simm.s32 $0x10480;
	s25 =	simm.s32 $0x10500  }
.LBB2_1:
0x18: {  	s3 =	rddreg [dreg:$0x8]  }
0x19: {  	[tilespmem:s4], [sflag:$0x2] =	stream.linear.gather [hbm4b:s3+s4], $0x200, $0x38;
	[tilespmem:$0x10A10] =	vst v63  }
0x1a: {  	_ =	swait.ge [sflag:s9], $0x200  }
0x1b: {  	[sflag:s9] =	ssyncset.done $0x0  }
0x1c: {  	s3 =	rddreg [dreg:$0x9];
	[sflag:s9] =	ssyncadd.s32 $0xFFFFFE00  }
0x1d: {  	[tilespmem:s10], [sflag:$0x2] =	stream.linear.gather [hbm4b:s3+s4], $0x200, $0x38;
	[tilespmem:$0x10A10] =	vst v63  }
0x1e: {  	_ =	swait.ge [sflag:s9], $0x200  }
0x1f: {  	[sflag:s9] =	ssyncset.done $0x0  }
0x20: {  	s3 =	rddreg [dreg:$0x7];
	[sflag:s9] =	ssyncadd.s32 $0xFFFFFE00  }
0x21: {  	[tilespmem:s11], [sflag:$0x2] =	stream.linear.gather [hbm4b:s3+s4], $0x10, $0x38;
	[tilespmem:$0x10A10] =	vst v63  }
0x22: {  	_ =	swait.ge [sflag:s9], $0x10  }
0x23: {  	[sflag:s9] =	ssyncset.done $0x0  }
0x24: {  	[sflag:s9] =	ssyncadd.s32 $0xFFFFFFF0  }
0x25: {  	[tilespmem:s13], [sflag:$0x1] =	stream.indirect.gather [hbm4b:s1+s12], $0x80, s4, s12, $0xb8;
	[tilespmem:$0x10A10] =	vst v63  }
0x26: {  	_ = 	snop  }
0x27: {  	[tilespmem:s14], [sflag:$0x1] =	stream.indirect.gather [hbm4b:s1+s12], $0x80, s12, s12, $0xb8;
	[tilespmem:$0x10A10] =	vst v63  }
0x28: {  	_ = 	snop  }
0x29: {  	[tilespmem:s16], [sflag:$0x1] =	stream.indirect.gather [hbm4b:s1+s12], $0x80, s15, s12, $0xb8;
	[tilespmem:$0x10A10] =	vst v63  }
0x2a: {  	_ = 	snop  }
0x2b: {  	[tilespmem:s18], [sflag:$0x1] =	stream.indirect.gather [hbm4b:s1+s12], $0x80, s17, s12, $0xb8;
	[tilespmem:$0x10A10] =	vst v63  }
0x2c: {  	_ =	swait.ge [sflag:s19], $0x4000  }
0x2d: {  	[sflag:s19] =	ssyncset.done $0x0  }
0x2e: {  	[sflag:s19] =	ssyncadd.s32 $0xFFFFC000  }
0x2f: {  	_ =	swait.ge [sflag:s19], $0x4000  }
0x30: {  	[sflag:s19] =	ssyncset.done $0x0  }
0x31: {  	[sflag:s19] =	ssyncadd.s32 $0xFFFFC000  }
0x32: {  	_ =	swait.ge [sflag:s19], $0x4000  }
0x33: {  	[sflag:s19] =	ssyncset.done $0x0  }
0x34: {  	[sflag:s19] =	ssyncadd.s32 $0xFFFFC000  }
0x35: {  	_ =	swait.ge [sflag:s19], $0x4000  }
0x36: {  	[sflag:s19] =	ssyncset.done $0x0  }
0x37: {  	s3 =	rddreg [dreg:$0xa];
	[sflag:s19] =	ssyncadd.s32 $0xFFFFC000  }
0x38: {  	[hbm4b:s3+s4] =	stream.linear.scatter [tilespmem:s13], [sflag:$0x2], $0x10000, $0x38;
	[tilespmem:$0x10A10] =	vst v63  }
0x39: {  	_ =	swait.ge [sflag:s9], $0x10000  }
0x3a: {  	[sflag:s9] =	ssyncset.done $0x0  }
0x3b: {  	[sflag:s9] =	ssyncadd.s32 $0xFFFF0000  }
0x3c: {  	[tilespmem:s13], [sflag:$0x1] =	stream.indirect.gather [hbm4b:s2+s12], $0x80, s10, s12, $0xb8;
	[tilespmem:$0x10A10] =	vst v63  }
0x3d: {  	_ = 	snop  }
0x3e: {  	[tilespmem:s14], [sflag:$0x1] =	stream.indirect.gather [hbm4b:s2+s12], $0x80, s20, s12, $0xb8;
	[tilespmem:$0x10A10] =	vst v63  }
0x3f: {  	_ = 	snop  }
0x40: {  	[tilespmem:s16], [sflag:$0x1] =	stream.indirect.gather [hbm4b:s2+s12], $0x80, s21, s12, $0xb8;
	[tilespmem:$0x10A10] =	vst v63  }
0x41: {  	_ = 	snop  }
0x42: {  	[tilespmem:s18], [sflag:$0x1] =	stream.indirect.gather [hbm4b:s2+s12], $0x80, s22, s12, $0xb8;
	[tilespmem:$0x10A10] =	vst v63  }
0x43: {  	_ =	swait.ge [sflag:s19], $0x4000  }
0x44: {  	[sflag:s19] =	ssyncset.done $0x0  }
0x45: {  	[sflag:s19] =	ssyncadd.s32 $0xFFFFC000  }
0x46: {  	_ =	swait.ge [sflag:s19], $0x4000  }
0x47: {  	[sflag:s19] =	ssyncset.done $0x0  }
0x48: {  	[sflag:s19] =	ssyncadd.s32 $0xFFFFC000  }
0x49: {  	_ =	swait.ge [sflag:s19], $0x4000  }
0x4a: {  	[sflag:s19] =	ssyncset.done $0x0  }
0x4b: {  	[sflag:s19] =	ssyncadd.s32 $0xFFFFC000  }
0x4c: {  	_ =	swait.ge [sflag:s19], $0x4000  }
0x4d: {  	[sflag:s19] =	ssyncset.done $0x0  }
0x4e: {  	s3 =	rddreg [dreg:$0xb];
	[sflag:s19] =	ssyncadd.s32 $0xFFFFC000  }
0x4f: {  	[hbm4b:s3+s4] =	stream.linear.scatter [tilespmem:s13], [sflag:$0x2], $0x10000, $0x38;
	[tilespmem:$0x10A10] =	vst v63  }
0x50: {  	_ =	swait.ge [sflag:s9], $0x10000  }
0x51: {  	[sflag:s9] =	ssyncset.done $0x0  }
0x52: {  	[sflag:s9] =	ssyncadd.s32 $0xFFFF0000  }
0x53: {  	[tilespmem:s23], [sflag:$0x1] =	stream.indirect.gather [hbm4b:s5+s12], $0x1, s4, s12, $0xb8;
	[tilespmem:$0x10A10] =	vst v63  }
0x54: {  	_ = 	snop  }
0x55: {  	[tilespmem:s24], [sflag:$0x1] =	stream.indirect.gather [hbm4b:s5+s12], $0x1, s12, s12, $0xb8;
	[tilespmem:$0x10A10] =	vst v63  }
0x56: {  	_ = 	snop  }
0x57: {  	[tilespmem:s25], [sflag:$0x1] =	stream.indirect.gather [hbm4b:s5+s12], $0x1, s15, s12, $0xb8;
	[tilespmem:$0x10A10] =	vst v63  }
0x58: {  	_ = 	snop  }
0x59: {  	[tilespmem:s26], [sflag:$0x1] =	stream.indirect.gather [hbm4b:s5+s12], $0x1, s17, s12, $0xb8;
	[tilespmem:$0x10A10] =	vst v63  }
0x5a: {  	_ = 	snop  }
0x5b: {  	[tilespmem:s28], [sflag:$0x1] =	stream.indirect.gather [hbm4b:s6+s12], $0x1, s10, s12, $0xb8;
	[tilespmem:$0x10A10] =	vst v63  }
0x5c: {  	_ = 	snop  }
0x5d: {  	[tilespmem:s29], [sflag:$0x1] =	stream.indirect.gather [hbm4b:s6+s12], $0x1, s20, s12, $0xb8;
	[tilespmem:$0x10A10] =	vst v63  }
0x5e: {  	_ = 	snop  }
0x5f: {  	[tilespmem:s30], [sflag:$0x1] =	stream.indirect.gather [hbm4b:s6+s12], $0x1, s21, s12, $0xb8;
	[tilespmem:$0x10A10] =	vst v63  }
0x60: {  	_ = 	snop  }
0x61: {  	[tilespmem:s31], [sflag:$0x1] =	stream.indirect.gather [hbm4b:s6+s12], $0x1, s22, s12, $0xb8;
	[tilespmem:$0x10A10] =	vst v63  }
0x62: {  	_ =	swait.ge [sflag:s19], $0x80  }
0x63: {  	[sflag:s19] =	ssyncset.done $0x0  }
0x64: {  	[sflag:s19] =	ssyncadd.s32 $0xFFFFFF80  }
0x65: {  	_ =	swait.ge [sflag:s19], $0x80  }
0x66: {  	[sflag:s19] =	ssyncset.done $0x0  }
0x67: {  	[sflag:s19] =	ssyncadd.s32 $0xFFFFFF80  }
0x68: {  	_ =	swait.ge [sflag:s19], $0x80  }
0x69: {  	[sflag:s19] =	ssyncset.done $0x0  }
0x6a: {  	[sflag:s19] =	ssyncadd.s32 $0xFFFFFF80  }
0x6b: {  	_ =	swait.ge [sflag:s19], $0x80  }
0x6c: {  	[sflag:s19] =	ssyncset.done $0x0  }
0x6d: {  	[sflag:s19] =	ssyncadd.s32 $0xFFFFFF80  }
0x6e: {  	_ =	swait.ge [sflag:s19], $0x80  }
0x6f: {  	[sflag:s19] =	ssyncset.done $0x0  }
0x70: {  	[sflag:s19] =	ssyncadd.s32 $0xFFFFFF80  }
0x71: {  	_ =	swait.ge [sflag:s19], $0x80  }
0x72: {  	[sflag:s19] =	ssyncset.done $0x0  }
0x73: {  	[sflag:s19] =	ssyncadd.s32 $0xFFFFFF80  }
0x74: {  	_ =	swait.ge [sflag:s19], $0x80  }
0x75: {  	[sflag:s19] =	ssyncset.done $0x0  }
0x76: {  	[sflag:s19] =	ssyncadd.s32 $0xFFFFFF80  }
0x77: {  	_ =	swait.ge [sflag:s19], $0x80  }
0x78: {  	[sflag:s19] =	ssyncset.done $0x0  }
0x79: {  	[sflag:s19] =	ssyncadd.s32 $0xFFFFFF80  }
0x7a: {  	v0 =	vld [tilespmem:$0x10A00]  }
0x7b: {  	v1 =	vld [tilespmem:$0x10400]  }
0x7c: {  	v2 =	vld [tilespmem:$0x10600]  }
0x7d: {  	v3 =	vld [tilespmem:$0x10410]  }
0x7e: {  	v4 =	vld [tilespmem:$0x10610]  }
0x7f: {  	v5 =	vld [tilespmem:$0x10420]  }
0x80: {  	v6 =	vld [tilespmem:$0x10620]  }
0x81: {  	v7 =	vld [tilespmem:$0x10430]  }
0x82: {  	v8 =	vld [tilespmem:$0x10630]  }
0x83: {  	v9 =	vld [tilespmem:$0x10440]  }
0x84: {  	v10 =	vld [tilespmem:$0x10640]  }
0x85: {  	v11 =	vld [tilespmem:$0x10450]  }
0x86: {  	v12 =	vld [tilespmem:$0x10650]  }
0x87: {  	v13 =	vld [tilespmem:$0x10460]  }
0x88: {  	v14 =	vld [tilespmem:$0x10660]  }
0x89: {  	v15 =	vld [tilespmem:$0x10470]  }
0x8a: {  	v16 =	vld [tilespmem:$0x10670]  }
0x8b: {  	v17 =	vld [tilespmem:$0x10480]  }
0x8c: {  	v18 =	vld [tilespmem:$0x10680]  }
0x8d: {  	v19 =	vld [tilespmem:$0x10490]  }
0x8e: {  	v20 =	vld [tilespmem:$0x10690]  }
0x8f: {  	v21 =	vld [tilespmem:$0x104A0]  }
0x90: {  	v22 =	vld [tilespmem:$0x106A0]  }
0x91: {  	v23 =	vld [tilespmem:$0x104B0]  }
0x92: {  	v24 =	vld [tilespmem:$0x106B0]  }
0x93: {  	v25 =	vld [tilespmem:$0x104C0]  }
0x94: {  	v26 =	vld [tilespmem:$0x106C0]  }
0x95: {  	v27 =	vld [tilespmem:$0x104D0]  }
0x96: {  	v28 =	vld [tilespmem:$0x106D0]  }
0x97: {  	v29 =	vld [tilespmem:$0x104E0]  }
0x98: {  	v30 =	vld [tilespmem:$0x106E0]  }
0x99: {  	v31 =	vld [tilespmem:$0x104F0]  }
0x9a: {  	v32 =	vld [tilespmem:$0x106F0]  }
0x9b: {  	v33 =	vld [tilespmem:$0x10500]  }
0x9c: {  	v34 =	vld [tilespmem:$0x10700]  }
0x9d: {  	v35 =	vld [tilespmem:$0x10510]  }
0x9e: {  	v36 =	vld [tilespmem:$0x10710]  }
0x9f: {  	v37 =	vld [tilespmem:$0x10520]  }
0xa0: {  	v45 =	vld [tilespmem:$0x10760];
	v1 =	vadd.f32 v2, v1;
	v3 =	vadd.f32 v4, v3  }
0xa1: {  	v48 =	vld [tilespmem:$0x10570];
	v5 =	vadd.f32 v6, v5;
	v7 =	vadd.f32 v8, v7  }
0xa2: {  	v51 =	vld [tilespmem:$0x10770];
	v62 =	vadd.f32 v10, v9;
	v1 =	vadd.f32 v1, v0  }
0xa3: {  	v54 =	vld [tilespmem:$0x10580];
	v38 =	vadd.f32 v12, v11;
	v3 =	vadd.f32 v3, v0  }
0xa4: {  	v57 =	vld [tilespmem:$0x10780];
	v40 =	vadd.f32 v14, v13;
	v61 =	vadd.f32 v5, v0;
	[tilespmem:$0x10800] =	vst v1  }
0xa5: {  	v60 =	vld [tilespmem:$0x10590];
	v42 =	vadd.f32 v16, v15;
	v63 =	vadd.f32 v7, v0;
	[tilespmem:$0x10810] =	vst v3  }
0xa6: {  	v2 =	vld [tilespmem:$0x10720];
	v44 =	vadd.f32 v18, v17;
	v39 =	vadd.f32 v62, v0;
	[tilespmem:$0x10820] =	vst v61  }
0xa7: {  	v4 =	vld [tilespmem:$0x10530];
	v47 =	vadd.f32 v20, v19;
	v41 =	vadd.f32 v38, v0;
	[tilespmem:$0x10830] =	vst v63  }
0xa8: {  	v6 =	vld [tilespmem:$0x10730];
	v50 =	vadd.f32 v22, v21;
	v43 =	vadd.f32 v40, v0;
	[tilespmem:$0x10840] =	vst v39  }
0xa9: {  	v8 =	vld [tilespmem:$0x10540];
	v53 =	vadd.f32 v24, v23;
	v46 =	vadd.f32 v42, v0;
	[tilespmem:$0x10850] =	vst v41  }
0xaa: {  	v9 =	vld [tilespmem:$0x10740];
	v56 =	vadd.f32 v26, v25;
	v49 =	vadd.f32 v44, v0;
	[tilespmem:$0x10860] =	vst v43  }
0xab: {  	v10 =	vld [tilespmem:$0x10550];
	v59 =	vadd.f32 v28, v27;
	v52 =	vadd.f32 v47, v0;
	[tilespmem:$0x10870] =	vst v46  }
0xac: {  	v11 =	vld [tilespmem:$0x10750];
	v25 =	vadd.f32 v32, v31;
	v55 =	vadd.f32 v50, v0;
	[tilespmem:$0x10880] =	vst v49  }
0xad: {  	v12 =	vld [tilespmem:$0x10560];
	v28 =	vadd.f32 v34, v33;
	v58 =	vadd.f32 v53, v0;
	[tilespmem:$0x10890] =	vst v52  }
0xae: {  	v26 =	vld [tilespmem:$0x105A0];
	v31 =	vadd.f32 v36, v35;
	v24 =	vadd.f32 v59, v0;
	[tilespmem:$0x108A0] =	vst v55  }
0xaf: {  	v32 =	vld [tilespmem:$0x105B0];
	v62 =	vadd.f32 v30, v29;
	v30 =	vadd.f32 v25, v0;
	[tilespmem:$0x108B0] =	vst v58  }
0xb0: {  	v34 =	vld [tilespmem:$0x107B0];
	v33 =	vadd.f32 v28, v0;
	[tilespmem:$0x108D0] =	vst v24  }
0xb1: {  	v36 =	vld [tilespmem:$0x105C0];
	v35 =	vadd.f32 v31, v0;
	[tilespmem:$0x108F0] =	vst v30  }
0xb2: {  	v29 =	vld [tilespmem:$0x107A0];
	v47 =	vadd.f32 v51, v48;
	v61 =	vadd.f32 v56, v0;
	[tilespmem:$0x10900] =	vst v33  }
0xb3: {  	v42 =	vld [tilespmem:$0x105D0];
	v50 =	vadd.f32 v57, v54;
	v27 =	vadd.f32 v62, v0;
	[tilespmem:$0x10910] =	vst v35  }
0xb4: {  	v48 =	vld [tilespmem:$0x105E0];
	v52 =	vadd.f32 v47, v0;
	v2 =	vadd.f32 v2, v37;
	[tilespmem:$0x108C0] =	vst v61  }
0xb5: {  	v51 =	vld [tilespmem:$0x107E0];
	v55 =	vadd.f32 v50, v0;
	v4 =	vadd.f32 v6, v4;
	[tilespmem:$0x108E0] =	vst v27  }
0xb6: {  	v54 =	vld [tilespmem:$0x105F0];
	v38 =	vadd.f32 v9, v8;
	[tilespmem:$0x10970] =	vst v52;
	v37 =	vadd.f32 v2, v0  }
0xb7: {  	v63 =	vld [tilespmem:$0x10790];
	v41 =	vadd.f32 v11, v10;
	[tilespmem:$0x10980] =	vst v55;
	v40 =	vadd.f32 v4, v0  }
0xb8: {  	v39 =	vld [tilespmem:$0x107C0];
	v44 =	vadd.f32 v45, v12;
	v43 =	vadd.f32 v38, v0;
	[tilespmem:$0x10920] =	vst v37  }
0xb9: {  	v45 =	vld [tilespmem:$0x107D0];
	v58 =	vadd.f32 v34, v32;
	v46 =	vadd.f32 v41, v0;
	[tilespmem:$0x10930] =	vst v40  }
0xba: {  	v57 =	vld [tilespmem:$0x107F0];
	v49 =	vadd.f32 v44, v0;
	v56 =	vadd.f32 v29, v26;
	[tilespmem:$0x10940] =	vst v43  }
0xbb: {  	v3 =	vadd.f32 v58, v0;
	v61 =	vadd.f32 v51, v48;
	[tilespmem:$0x10950] =	vst v46  }
0xbc: {  	v53 =	vadd.f32 v63, v60;
	[tilespmem:$0x10960] =	vst v49;
	v2 =	vadd.f32 v56, v0  }
0xbd: {  	v59 =	vadd.f32 v39, v36;
	[tilespmem:$0x109B0] =	vst v3;
	v63 =	vadd.f32 v61, v0  }
0xbe: {  	v60 =	vadd.f32 v45, v42;
	v4 =	vadd.f32 v53, v0;
	[tilespmem:$0x109A0] =	vst v2  }
0xbf: {  	v62 =	vadd.f32 v57, v54;
	v1 =	vadd.f32 v59, v0;
	[tilespmem:$0x109E0] =	vst v63  }
0xc0: {  	[tilespmem:$0x10990] =	vst v4;
	v4 =	vadd.f32 v60, v0  }
0xc1: {  	[tilespmem:$0x109C0] =	vst v1;
	v0 =	vadd.f32 v62, v0  }
0xc2: {  	p0 =	sne.s32 s8, $0x1;
	[tilespmem:$0x109D0] =	vst v4  }
.Ltmp0:
0xc3: {  	[tilespmem:$0x109F0] =	vst v0;
	(pc) =	sbr.rel @p0 .LBB2_1-.Ltmp0, $4  }
0xc4: {  	[hbm4b:s7+s4] =	stream.linear.scatter [tilespmem:s0], [sflag:$0x2], $0x200, $0x38;
	[tilespmem:$0x10A10] =	vst v63  }
0xc5: {  	_ =	swait.ge [sflag:s9], $0x200  }
0xc6: {  	[sflag:s9] =	ssyncset.done $0x0  }
0xc7: {  	s8 =	sadd.s32 $0xFFFFFFFF, s8;
	[sflag:s9] =	ssyncadd.s32 $0xFFFFFE00  }
0xc8: {  	_ =	sfence.sel $0x180000  }
0xc9: {  	[bflag:$0x0] =	sbarrier.arrive $0xFFFF  }
0xca: {  	_ =	strace $0x90000047  }
0xcb: {  	s0 =	stileid.u32;
	[bflag:$0x2] =	sbarrier.arrive $0xFFFF  }
0xcc: {  	p0 =	sne.s32 s0, $0x0;
	s0 =	rddreg [dreg:$0x6]  }
0xcd: {  	s0 =	sadd.s32 @!p0 $0x100000, s0  }
0xce: {  	[sflag:s0] =	ssyncadd.tile.s32 @!p0 $0x1;
	_ =	shalt  }
.Lfunc_end2:
_tile_overlayer_lowered:
.L_overlay_start_2:
0xcf: {  	(tag) =	ssettag $0x2  }
0xd0: {  	s0 =	rddreg [dreg:$0x0];
	s2 =	stileid.u32  }
0xd1: {  	s1 =	rddreg [dreg:$0x1];
	p0 =	sne.s32 s2, $0x0  }
0xd2: {  	s3 =	rddreg [dreg:$0x2];
	[bflag:$0x3] =	sbarrier.arrive $0xFFFF;
	s2 =	simm.s32 @!p0 $0x1C02  }
0xd3: {  	[timem:s3], [sflag:s2] =	dma.local @!p0 [hbm:s0], s1  }
0xd4: {  	s0 =	simm.s32 @!p0 $0x2  }
0xd5: {  	_ =	swait.ge @!p0 [sflag:s0], s1  }
0xd6: {  	s1 =	ssub.s32 @!p0 $0x0, s1;
	[sflag:s0] =	ssyncset.done @!p0 $0x0  }
0xd7: {  	[sflag:s0] =	ssyncadd.s32 @!p0 s1  }
0xd8: {  	[bflag:$0x3] =	sbarrier.arrive $0xFFFF  }
0xd9: {  	_ =	shalt  }

</sc_bundles>
